<compile_context>
chip_gen: v7x
topology: tpu7x:2x2x1
jax: 0.10.2.dev20260603
libtpu: 0.0.44.dev20260713+nightly
codegen_flags: <defaults>
</compile_context>

<pallas_src>
import functools

import jax
import jax.numpy as jnp
from jax import lax
from jax.experimental import pallas as pl
from jax.experimental.pallas import tpu as pltpu
from jax.experimental.pallas import tpu_sc as plsc

NUM_WORKERS = 32
L = 128
NB = 4
NS = 50


def _make_kernel(D):
    mesh = plsc.VectorSubcoreMesh(core_axis_name="c", subcore_axis_name="s")

    @functools.partial(
        pl.kernel,
        out_type=jax.ShapeDtypeStruct((NS, 128, L, D), jnp.float32),
        mesh=mesh,
        scratch_types=[
            pltpu.VMEM((NS + 2, NB, L), jnp.int32),
            pltpu.VMEM((2, NB, L, D), jnp.float32),
            pltpu.SemaphoreType.DMA,
            pltpu.SemaphoreType.DMA,
            pltpu.SemaphoreType.DMA,
        ],
        compiler_params=pltpu.CompilerParams(use_tc_tiling_on_sc=False),
    )
    def gather_kernel(idx_hbm, table_hbm, out_hbm, idx_v, rows_v,
                      sem_g, sem_w0, sem_w1):
        wid = lax.axis_index("s") * 2 + lax.axis_index("c")
        bb0 = wid * NB
        sem_w = (sem_w0, sem_w1)

        pltpu.sync_copy(idx_hbm.at[:, pl.ds(bb0, NB)],
                        idx_v.at[pl.ds(0, NS)])
        zeros16 = jnp.zeros((16,), jnp.int32)
        for r in range(NS, NS + 2):
            for g in range(NB):
                for k in range(L // 16):
                    idx_v[r, g, pl.ds(k * 16, 16)] = zeros16

        def fire_gathers(s, par):
            for g in range(NB):
                pltpu.async_copy(
                    table_hbm.at[idx_v.at[s, g]],
                    rows_v.at[par, g],
                    sem_g,
                )

        def drain_gathers(par):
            for g in range(NB):
                pltpu.make_async_copy(
                    table_hbm.at[idx_v.at[0, g]],
                    rows_v.at[par, g],
                    sem_g,
                ).wait()

        def writeback(s, par):
            return pltpu.make_async_copy(
                rows_v.at[par],
                out_hbm.at[s, pl.ds(bb0, NB)],
                sem_w[par],
            )

        fire_gathers(0, 0)
        drain_gathers(0)
        fire_gathers(1, 1)
        writeback(0, 0).start()
        drain_gathers(1)
        writeback(0, 0).wait()
        fire_gathers(2, 0)
        writeback(1, 1).start()

        def body(p, carry):
            for par in range(2):
                s = 2 * p + par
                drain_gathers(par)
                writeback(s - 1, 1 - par).wait()
                fire_gathers(s + 1, 1 - par)
                writeback(s, par).start()
            return carry

        lax.fori_loop(1, NS // 2, body, 0)

        drain_gathers(0)
        writeback(NS - 1, 1).wait()

    return gather_kernel


def kernel(token_ids, weight):
    S0, S1 = token_ids.shape
    V, D = weight.shape
    wpad = jnp.pad(weight, ((0, 0), (0, 128 - D))).reshape(4 * V, D)
    idx = (token_ids.T.reshape(S1, S0 // L, L) * 4).astype(jnp.int32)
    out = _make_kernel(D)(idx, wpad)
    return out.reshape(S1, S0, D).transpose(1, 0, 2)

# --- scband reference (transcript-rebuilt; emitter-appended) ---
"""Pipeline reference for scband-embedding-30709016166721 (READ-ONLY COPY).

The authoritative reference and input builder live on the scoring server;
editing this copy changes nothing except your own understanding.
"""

import jax, jax.numpy as jnp
import numpy as np

NUM_EMBEDDINGS = 1000000
EMBEDDING_DIM = 32

def setup_inputs(seed: int = 0) -> dict:
    key = jax.random.key(seed)
    k_idx, k_w = jax.random.split(key)
    token_ids = jax.random.randint(k_idx, (16384, 50), 0, NUM_EMBEDDINGS, dtype=jnp.int64)
    # trunc_normal_(mean=0, std=1, a=-3, b=3)
    weight = jax.random.truncated_normal(k_w, -3.0, 3.0, (NUM_EMBEDDINGS, EMBEDDING_DIM), dtype=jnp.float32)
    return {"token_ids": token_ids, "weight": weight}

def reference(token_ids, weight):
    # Faithful translation of Embedding.forward: self.weight[token_ids]
    return jnp.take(weight, token_ids, axis=0)

if __name__ == "__main__":
    import jax
    _d = setup_inputs()
    print(jax.jit(kernel)(*tuple(_d.values())))

</pallas_src>

<mosaic_0001>
#map = affine_map<(d0, d1) -> (0, 0, 0)>
#map1 = affine_map<(d0, d1) -> (0, 0)>
#map2 = affine_map<(d0, d1) -> (0, 0, 0, 0)>
module attributes {stable_mosaic.version = 14 : i64} {
  func.func @gather_kernel(%arg0: i32, %arg1: i32, %arg2: memref<50x128x128xi32, #tpu.memory_space<hbm>>, %arg3: memref<4000000x32xf32, #tpu.memory_space<hbm>>, %arg4: memref<50x128x128x32xf32, #tpu.memory_space<hbm>>, %arg5: memref<52x4x128xi32, #tpu.memory_space<vmem>>, %arg6: memref<2x4x128x32xf32, #tpu.memory_space<vmem>>, %arg7: memref<!tpu.dma_semaphore, #tpu.memory_space<semaphore_mem>>, %arg8: memref<!tpu.dma_semaphore, #tpu.memory_space<semaphore_mem>>, %arg9: memref<!tpu.dma_semaphore, #tpu.memory_space<semaphore_mem>>) attributes {dimension_semantics = [#tpu.dimension_semantics<core_parallel>, #tpu.dimension_semantics<subcore_parallel>], iteration_bounds = array<i64: 2, 16>, scalar_prefetch = 0 : i64, scratch_operands = 5 : i64, tpu.core_type = #tpu.core_type<sc_vector_subcore>, window_params = [{transform_indices = #map}, {transform_indices = #map1}, {transform_indices = #map2}]} {
    %mul3A = arith.constant 2 : i32
    %mul3A_0 = arith.muli %arg1, %mul3A : i32
    %add3A = arith.addi %mul3A_0, %arg0 : i32
    %mul3A_1 = arith.constant 4 : i32
    %mul3A_2 = arith.muli %add3A, %mul3A_1 : i32
    "tpu.region"() ({
      %run_scoped3A = tpu.sem_alloc : memref<!tpu.dma_semaphore, #tpu.memory_space<semaphore_mem>>
      %dma_start3A_934 = arith.constant 0 : i32
      %dma_start3A_935 = arith.constant 0 : i32
      %dma_start3A_936 = arith.constant 0 : i32
      %dma_start3A_937 = tpu.memref_slice %arg5[%dma_start3A_934, %dma_start3A_935, %dma_start3A_936] : memref<52x4x128xi32, #tpu.memory_space<vmem>> -> memref<50x4x128xi32, #tpu.memory_space<vmem>>
      %dma_start3A_938 = arith.constant 0 : i32
      %dma_start3A_939 = arith.constant 0 : i32
      %dma_start3A_940 = tpu.memref_slice %arg2[%dma_start3A_938, %mul3A_2, %dma_start3A_939] : memref<50x128x128xi32, #tpu.memory_space<hbm>> -> memref<50x4x128xi32, #tpu.memory_space<hbm>>
      %dma_start3A_941 = arith.constant 0 : i32
      %dma_start3A_942 = arith.constant 0 : i32
      %dma_start3A_943 = arith.constant 0 : i32
      %dma_start3A_944 = tpu.memref_slice %arg5[%dma_start3A_941, %dma_start3A_942, %dma_start3A_943] : memref<52x4x128xi32, #tpu.memory_space<vmem>> -> memref<50x4x128xi32, #tpu.memory_space<vmem>>
      %dma_start3A_945 = arith.constant 0 : i32
      %dma_start3A_946 = arith.constant 0 : i32
      %dma_start3A_947 = tpu.memref_slice %arg2[%dma_start3A_945, %mul3A_2, %dma_start3A_946] : memref<50x128x128xi32, #tpu.memory_space<hbm>> -> memref<50x4x128xi32, #tpu.memory_space<hbm>>
      tpu.enqueue_dma source(%dma_start3A_947 : memref<50x4x128xi32, #tpu.memory_space<hbm>>) target(%dma_start3A_944 : memref<50x4x128xi32, #tpu.memory_space<vmem>>) target_semaphore(%run_scoped3A : memref<!tpu.dma_semaphore, #tpu.memory_space<semaphore_mem>>)
      %dma_wait3A_948 = arith.constant 0 : i32
      %dma_wait3A_949 = arith.constant 0 : i32
      %dma_wait3A_950 = arith.constant 0 : i32
      %dma_wait3A_951 = tpu.memref_slice %arg5[%dma_wait3A_948, %dma_wait3A_949, %dma_wait3A_950] : memref<52x4x128xi32, #tpu.memory_space<vmem>> -> memref<50x4x128xi32, #tpu.memory_space<vmem>>
      %dma_wait3A_952 = arith.constant 0 : i32
      %dma_wait3A_953 = arith.constant 0 : i32
      %dma_wait3A_954 = tpu.memref_slice %arg2[%dma_wait3A_952, %mul3A_2, %dma_wait3A_953] : memref<50x128x128xi32, #tpu.memory_space<hbm>> -> memref<50x4x128xi32, #tpu.memory_space<hbm>>
      %dma_wait3A_955 = arith.constant 0 : i32
      %dma_wait3A_956 = arith.constant 0 : i32
      %dma_wait3A_957 = arith.constant 0 : i32
      %dma_wait3A_958 = tpu.memref_slice %arg5[%dma_wait3A_955, %dma_wait3A_956, %dma_wait3A_957] : memref<52x4x128xi32, #tpu.memory_space<vmem>> -> memref<50x4x128xi32, #tpu.memory_space<vmem>>
      %dma_wait3A_959 = arith.constant 0 : i32
      %dma_wait3A_960 = arith.constant 0 : i32
      %dma_wait3A_961 = tpu.memref_slice %arg2[%dma_wait3A_959, %mul3A_2, %dma_wait3A_960] : memref<50x128x128xi32, #tpu.memory_space<hbm>> -> memref<50x4x128xi32, #tpu.memory_space<hbm>>
      tpu.wait_dma2 semaphore(%run_scoped3A : memref<!tpu.dma_semaphore, #tpu.memory_space<semaphore_mem>>) src(%dma_wait3A_961 : memref<50x4x128xi32, #tpu.memory_space<hbm>>) dst(%dma_wait3A_958 : memref<50x4x128xi32, #tpu.memory_space<vmem>>)
      tpu.yield
    }) : () -> ()
    %broadcast_in_dim3A = arith.constant 0 : i32
    %broadcast_in_dim3A_3 = vector.broadcast %broadcast_in_dim3A : i32 to vector<16xi32>
    %swap3A = arith.constant 50 : i32
    %swap3A_4 = arith.constant 0 : i32
    %swap3A_5 = arith.index_cast %swap3A : i32 to index
    %swap3A_6 = arith.index_cast %swap3A_4 : i32 to index
    %swap3A_7 = arith.constant 0 : index
    %swap3A_8 = tpu.vector_load %arg5[%swap3A_5, %swap3A_6, %swap3A_7] {strides = array<i32>} : memref<52x4x128xi32, #tpu.memory_space<vmem>>, vector<1x1x16xi32>,
    %swap3A_9 = vector.shape_cast %swap3A_8 : vector<1x1x16xi32> to vector<16xi32>
    %swap3A_10 = vector.shape_cast %broadcast_in_dim3A_3 : vector<16xi32> to vector<1x1x16xi32>
    tpu.vector_store %arg5[%swap3A_5, %swap3A_6, %swap3A_7], %swap3A_10 {strides = array<i32>} : memref<52x4x128xi32, #tpu.memory_space<vmem>>, vector<1x1x16xi32>,
    %swap3A_11 = arith.constant 50 : i32
    %swap3A_12 = arith.constant 0 : i32
    %swap3A_13 = arith.index_cast %swap3A_11 : i32 to index
    %swap3A_14 = arith.index_cast %swap3A_12 : i32 to index
    %swap3A_15 = arith.constant 16 : index
    %swap3A_16 = tpu.vector_load %arg5[%swap3A_13, %swap3A_14, %swap3A_15] {strides = array<i32>} : memref<52x4x128xi32, #tpu.memory_space<vmem>>, vector<1x1x16xi32>,
    %swap3A_17 = vector.shape_cast %swap3A_16 : vector<1x1x16xi32> to vector<16xi32>
    %swap3A_18 = vector.shape_cast %broadcast_in_dim3A_3 : vector<16xi32> to vector<1x1x16xi32>
    tpu.vector_store %arg5[%swap3A_13, %swap3A_14, %swap3A_15], %swap3A_18 {strides = array<i32>} : memref<52x4x128xi32, #tpu.memory_space<vmem>>, vector<1x1x16xi32>,
    %swap3A_19 = arith.constant 50 : i32
    %swap3A_20 = arith.constant 0 : i32
    %swap3A_21 = arith.index_cast %swap3A_19 : i32 to index
    %swap3A_22 = arith.index_cast %swap3A_20 : i32 to index
    %swap3A_23 = arith.constant 32 : index
    %swap3A_24 = tpu.vector_load %arg5[%swap3A_21, %swap3A_22, %swap3A_23] {strides = array<i32>} : memref<52x4x128xi32, #tpu.memory_space<vmem>>, vector<1x1x16xi32>,
    %swap3A_25 = vector.shape_cast %swap3A_24 : vector<1x1x16xi32> to vector<16xi32>
    %swap3A_26 = vector.shape_cast %broadcast_in_dim3A_3 : vector<16xi32> to vector<1x1x16xi32>
    tpu.vector_store %arg5[%swap3A_21, %swap3A_22, %swap3A_23], %swap3A_26 {strides = array<i32>} : memref<52x4x128xi32, #tpu.memory_space<vmem>>, vector<1x1x16xi32>,
    %swap3A_27 = arith.constant 50 : i32
    %swap3A_28 = arith.constant 0 : i32
    %swap3A_29 = arith.index_cast %swap3A_27 : i32 to index
    %swap3A_30 = arith.index_cast %swap3A_28 : i32 to index
    %swap3A_31 = arith.constant 48 : index
    %swap3A_32 = tpu.vector_load %arg5[%swap3A_29, %swap3A_30, %swap3A_31] {strides = array<i32>} : memref<52x4x128xi32, #tpu.memory_space<vmem>>, vector<1x1x16xi32>,
    %swap3A_33 = vector.shape_cast %swap3A_32 : vector<1x1x16xi32> to vector<16xi32>
    %swap3A_34 = vector.shape_cast %broadcast_in_dim3A_3 : vector<16xi32> to vector<1x1x16xi32>
    tpu.vector_store %arg5[%swap3A_29, %swap3A_30, %swap3A_31], %swap3A_34 {strides = array<i32>} : memref<52x4x128xi32, #tpu.memory_space<vmem>>, vector<1x1x16xi32>,
    %swap3A_35 = arith.constant 50 : i32
    %swap3A_36 = arith.constant 0 : i32
    %swap3A_37 = arith.index_cast %swap3A_35 : i32 to index
    %swap3A_38 = arith.index_cast %swap3A_36 : i32 to index
    %swap3A_39 = arith.constant 64 : index
    %swap3A_40 = tpu.vector_load %arg5[%swap3A_37, %swap3A_38, %swap3A_39] {strides = array<i32>} : memref<52x4x128xi32, #tpu.memory_space<vmem>>, vector<1x1x16xi32>,
    %swap3A_41 = vector.shape_cast %swap3A_40 : vector<1x1x16xi32> to vector<16xi32>
    %swap3A_42 = vector.shape_cast %broadcast_in_dim3A_3 : vector<16xi32> to vector<1x1x16xi32>
    tpu.vector_store %arg5[%swap3A_37, %swap3A_38, %swap3A_39], %swap3A_42 {strides = array<i32>} : memref<52x4x128xi32, #tpu.memory_space<vmem>>, vector<1x1x16xi32>,
    %swap3A_43 = arith.constant 50 : i32
    %swap3A_44 = arith.constant 0 : i32
    %swap3A_45 = arith.index_cast %swap3A_43 : i32 to index
    %swap3A_46 = arith.index_cast %swap3A_44 : i32 to index
    %swap3A_47 = arith.constant 80 : index
    %swap3A_48 = tpu.vector_load %arg5[%swap3A_45, %swap3A_46, %swap3A_47] {strides = array<i32>} : memref<52x4x128xi32, #tpu.memory_space<vmem>>, vector<1x1x16xi32>,
    %swap3A_49 = vector.shape_cast %swap3A_48 : vector<1x1x16xi32> to vector<16xi32>
    %swap3A_50 = vector.shape_cast %broadcast_in_dim3A_3 : vector<16xi32> to vector<1x1x16xi32>
    tpu.vector_store %arg5[%swap3A_45, %swap3A_46, %swap3A_47], %swap3A_50 {strides = array<i32>} : memref<52x4x128xi32, #tpu.memory_space<vmem>>, vector<1x1x16xi32>,
    %swap3A_51 = arith.constant 50 : i32
    %swap3A_52 = arith.constant 0 : i32
    %swap3A_53 = arith.index_cast %swap3A_51 : i32 to index
    %swap3A_54 = arith.index_cast %swap3A_52 : i32 to index
    %swap3A_55 = arith.constant 96 : index
    %swap3A_56 = tpu.vector_load %arg5[%swap3A_53, %swap3A_54, %swap3A_55] {strides = array<i32>} : memref<52x4x128xi32, #tpu.memory_space<vmem>>, vector<1x1x16xi32>,
    %swap3A_57 = vector.shape_cast %swap3A_56 : vector<1x1x16xi32> to vector<16xi32>
    %swap3A_58 = vector.shape_cast %broadcast_in_dim3A_3 : vector<16xi32> to vector<1x1x16xi32>
    tpu.vector_store %arg5[%swap3A_53, %swap3A_54, %swap3A_55], %swap3A_58 {strides = array<i32>} : memref<52x4x128xi32, #tpu.memory_space<vmem>>, vector<1x1x16xi32>,
    %swap3A_59 = arith.constant 50 : i32
    %swap3A_60 = arith.constant 0 : i32
    %swap3A_61 = arith.index_cast %swap3A_59 : i32 to index
    %swap3A_62 = arith.index_cast %swap3A_60 : i32 to index
    %swap3A_63 = arith.constant 112 : index
    %swap3A_64 = tpu.vector_load %arg5[%swap3A_61, %swap3A_62, %swap3A_63] {strides = array<i32>} : memref<52x4x128xi32, #tpu.memory_space<vmem>>, vector<1x1x16xi32>,
    %swap3A_65 = vector.shape_cast %swap3A_64 : vector<1x1x16xi32> to vector<16xi32>
    %swap3A_66 = vector.shape_cast %broadcast_in_dim3A_3 : vector<16xi32> to vector<1x1x16xi32>
    tpu.vector_store %arg5[%swap3A_61, %swap3A_62, %swap3A_63], %swap3A_66 {strides = array<i32>} : memref<52x4x128xi32, #tpu.memory_space<vmem>>, vector<1x1x16xi32>,
    %swap3A_67 = arith.constant 50 : i32
    %swap3A_68 = arith.constant 1 : i32
    %swap3A_69 = arith.index_cast %swap3A_67 : i32 to index
    %swap3A_70 = arith.index_cast %swap3A_68 : i32 to index
    %swap3A_71 = arith.constant 0 : index
    %swap3A_72 = tpu.vector_load %arg5[%swap3A_69, %swap3A_70, %swap3A_71] {strides = array<i32>} : memref<52x4x128xi32, #tpu.memory_space<vmem>>, vector<1x1x16xi32>,
    %swap3A_73 = vector.shape_cast %swap3A_72 : vector<1x1x16xi32> to vector<16xi32>
    %swap3A_74 = vector.shape_cast %broadcast_in_dim3A_3 : vector<16xi32> to vector<1x1x16xi32>
    tpu.vector_store %arg5[%swap3A_69, %swap3A_70, %swap3A_71], %swap3A_74 {strides = array<i32>} : memref<52x4x128xi32, #tpu.memory_space<vmem>>, vector<1x1x16xi32>,
    %swap3A_75 = arith.constant 50 : i32
    %swap3A_76 = arith.constant 1 : i32
    %swap3A_77 = arith.index_cast %swap3A_75 : i32 to index
    %swap3A_78 = arith.index_cast %swap3A_76 : i32 to index
    %swap3A_79 = arith.constant 16 : index
    %swap3A_80 = tpu.vector_load %arg5[%swap3A_77, %swap3A_78, %swap3A_79] {strides = array<i32>} : memref<52x4x128xi32, #tpu.memory_space<vmem>>, vector<1x1x16xi32>,
    %swap3A_81 = vector.shape_cast %swap3A_80 : vector<1x1x16xi32> to vector<16xi32>
    %swap3A_82 = vector.shape_cast %broadcast_in_dim3A_3 : vector<16xi32> to vector<1x1x16xi32>
    tpu.vector_store %arg5[%swap3A_77, %swap3A_78, %swap3A_79], %swap3A_82 {strides = array<i32>} : memref<52x4x128xi32, #tpu.memory_space<vmem>>, vector<1x1x16xi32>,
    %swap3A_83 = arith.constant 50 : i32
    %swap3A_84 = arith.constant 1 : i32
    %swap3A_85 = arith.index_cast %swap3A_83 : i32 to index
    %swap3A_86 = arith.index_cast %swap3A_84 : i32 to index
    %swap3A_87 = arith.constant 32 : index
    %swap3A_88 = tpu.vector_load %arg5[%swap3A_85, %swap3A_86, %swap3A_87] {strides = array<i32>} : memref<52x4x128xi32, #tpu.memory_space<vmem>>, vector<1x1x16xi32>,
    %swap3A_89 = vector.shape_cast %swap3A_88 : vector<1x1x16xi32> to vector<16xi32>
    %swap3A_90 = vector.shape_cast %broadcast_in_dim3A_3 : vector<16xi32> to vector<1x1x16xi32>
    tpu.vector_store %arg5[%swap3A_85, %swap3A_86, %swap3A_87], %swap3A_90 {strides = array<i32>} : memref<52x4x128xi32, #tpu.memory_space<vmem>>, vector<1x1x16xi32>,
    %swap3A_91 = arith.constant 50 : i32
    %swap3A_92 = arith.constant 1 : i32
    %swap3A_93 = arith.index_cast %swap3A_91 : i32 to index
    %swap3A_94 = arith.index_cast %swap3A_92 : i32 to index
    %swap3A_95 = arith.constant 48 : index
    %swap3A_96 = tpu.vector_load %arg5[%swap3A_93, %swap3A_94, %swap3A_95] {strides = array<i32>} : memref<52x4x128xi32, #tpu.memory_space<vmem>>, vector<1x1x16xi32>,
    %swap3A_97 = vector.shape_cast %swap3A_96 : vector<1x1x16xi32> to vector<16xi32>
    %swap3A_98 = vector.shape_cast %broadcast_in_dim3A_3 : vector<16xi32> to vector<1x1x16xi32>
    tpu.vector_store %arg5[%swap3A_93, %swap3A_94, %swap3A_95], %swap3A_98 {strides = array<i32>} : memref<52x4x128xi32, #tpu.memory_space<vmem>>, vector<1x1x16xi32>,
    %swap3A_99 = arith.constant 50 : i32
    %swap3A_100 = arith.constant 1 : i32
    %swap3A_101 = arith.index_cast %swap3A_99 : i32 to index
    %swap3A_102 = arith.index_cast %swap3A_100 : i32 to index
    %swap3A_103 = arith.constant 64 : index
    %swap3A_104 = tpu.vector_load %arg5[%swap3A_101, %swap3A_102, %swap3A_103] {strides = array<i32>} : memref<52x4x128xi32, #tpu.memory_space<vmem>>, vector<1x1x16xi32>,
    %swap3A_105 = vector.shape_cast %swap3A_104 : vector<1x1x16xi32> to vector<16xi32>
    %swap3A_106 = vector.shape_cast %broadcast_in_dim3A_3 : vector<16xi32> to vector<1x1x16xi32>
    tpu.vector_store %arg5[%swap3A_101, %swap3A_102, %swap3A_103], %swap3A_106 {strides = array<i32>} : memref<52x4x128xi32, #tpu.memory_space<vmem>>, vector<1x1x16xi32>,
    %swap3A_107 = arith.constant 50 : i32
    %swap3A_108 = arith.constant 1 : i32
    %swap3A_109 = arith.index_cast %swap3A_107 : i32 to index
    %swap3A_110 = arith.index_cast %swap3A_108 : i32 to index
    %swap3A_111 = arith.constant 80 : index
    %swap3A_112 = tpu.vector_load %arg5[%swap3A_109, %swap3A_110, %swap3A_111] {strides = array<i32>} : memref<52x4x128xi32, #tpu.memory_space<vmem>>, vector<1x1x16xi32>,
    %swap3A_113 = vector.shape_cast %swap3A_112 : vector<1x1x16xi32> to vector<16xi32>
    %swap3A_114 = vector.shape_cast %broadcast_in_dim3A_3 : vector<16xi32> to vector<1x1x16xi32>
    tpu.vector_store %arg5[%swap3A_109, %swap3A_110, %swap3A_111], %swap3A_114 {strides = array<i32>} : memref<52x4x128xi32, #tpu.memory_space<vmem>>, vector<1x1x16xi32>,
    %swap3A_115 = arith.constant 50 : i32
    %swap3A_116 = arith.constant 1 : i32
    %swap3A_117 = arith.index_cast %swap3A_115 : i32 to index
    %swap3A_118 = arith.index_cast %swap3A_116 : i32 to index
    %swap3A_119 = arith.constant 96 : index
    %swap3A_120 = tpu.vector_load %arg5[%swap3A_117, %swap3A_118, %swap3A_119] {strides = array<i32>} : memref<52x4x128xi32, #tpu.memory_space<vmem>>, vector<1x1x16xi32>,
    %swap3A_121 = vector.shape_cast %swap3A_120 : vector<1x1x16xi32> to vector<16xi32>
    %swap3A_122 = vector.shape_cast %broadcast_in_dim3A_3 : vector<16xi32> to vector<1x1x16xi32>
    tpu.vector_store %arg5[%swap3A_117, %swap3A_118, %swap3A_119], %swap3A_122 {strides = array<i32>} : memref<52x4x128xi32, #tpu.memory_space<vmem>>, vector<1x1x16xi32>,
    %swap3A_123 = arith.constant 50 : i32
    %swap3A_124 = arith.constant 1 : i32
    %swap3A_125 = arith.index_cast %swap3A_123 : i32 to index
    %swap3A_126 = arith.index_cast %swap3A_124 : i32 to index
    %swap3A_127 = arith.constant 112 : index
    %swap3A_128 = tpu.vector_load %arg5[%swap3A_125, %swap3A_126, %swap3A_127] {strides = array<i32>} : memref<52x4x128xi32, #tpu.memory_space<vmem>>, vector<1x1x16xi32>,
    %swap3A_129 = vector.shape_cast %swap3A_128 : vector<1x1x16xi32> to vector<16xi32>
    %swap3A_130 = vector.shape_cast %broadcast_in_dim3A_3 : vector<16xi32> to vector<1x1x16xi32>
    tpu.vector_store %arg5[%swap3A_125, %swap3A_126, %swap3A_127], %swap3A_130 {strides = array<i32>} : memref<52x4x128xi32, #tpu.memory_space<vmem>>, vector<1x1x16xi32>,
    %swap3A_131 = arith.constant 50 : i32
    %swap3A_132 = arith.constant 2 : i32
    %swap3A_133 = arith.index_cast %swap3A_131 : i32 to index
    %swap3A_134 = arith.index_cast %swap3A_132 : i32 to index
    %swap3A_135 = arith.constant 0 : index
    %swap3A_136 = tpu.vector_load %arg5[%swap3A_133, %swap3A_134, %swap3A_135] {strides = array<i32>} : memref<52x4x128xi32, #tpu.memory_space<vmem>>, vector<1x1x16xi32>,
    %swap3A_137 = vector.shape_cast %swap3A_136 : vector<1x1x16xi32> to vector<16xi32>
    %swap3A_138 = vector.shape_cast %broadcast_in_dim3A_3 : vector<16xi32> to vector<1x1x16xi32>
    tpu.vector_store %arg5[%swap3A_133, %swap3A_134, %swap3A_135], %swap3A_138 {strides = array<i32>} : memref<52x4x128xi32, #tpu.memory_space<vmem>>, vector<1x1x16xi32>,
    %swap3A_139 = arith.constant 50 : i32
    %swap3A_140 = arith.constant 2 : i32
    %swap3A_141 = arith.index_cast %swap3A_139 : i32 to index
    %swap3A_142 = arith.index_cast %swap3A_140 : i32 to index
    %swap3A_143 = arith.constant 16 : index
    %swap3A_144 = tpu.vector_load %arg5[%swap3A_141, %swap3A_142, %swap3A_143] {strides = array<i32>} : memref<52x4x128xi32, #tpu.memory_space<vmem>>, vector<1x1x16xi32>,
    %swap3A_145 = vector.shape_cast %swap3A_144 : vector<1x1x16xi32> to vector<16xi32>
    %swap3A_146 = vector.shape_cast %broadcast_in_dim3A_3 : vector<16xi32> to vector<1x1x16xi32>
    tpu.vector_store %arg5[%swap3A_141, %swap3A_142, %swap3A_143], %swap3A_146 {strides = array<i32>} : memref<52x4x128xi32, #tpu.memory_space<vmem>>, vector<1x1x16xi32>,
    %swap3A_147 = arith.constant 50 : i32
    %swap3A_148 = arith.constant 2 : i32
    %swap3A_149 = arith.index_cast %swap3A_147 : i32 to index
    %swap3A_150 = arith.index_cast %swap3A_148 : i32 to index
    %swap3A_151 = arith.constant 32 : index
    %swap3A_152 = tpu.vector_load %arg5[%swap3A_149, %swap3A_150, %swap3A_151] {strides = array<i32>} : memref<52x4x128xi32, #tpu.memory_space<vmem>>, vector<1x1x16xi32>,
    %swap3A_153 = vector.shape_cast %swap3A_152 : vector<1x1x16xi32> to vector<16xi32>
    %swap3A_154 = vector.shape_cast %broadcast_in_dim3A_3 : vector<16xi32> to vector<1x1x16xi32>
    tpu.vector_store %arg5[%swap3A_149, %swap3A_150, %swap3A_151], %swap3A_154 {strides = array<i32>} : memref<52x4x128xi32, #tpu.memory_space<vmem>>, vector<1x1x16xi32>,
    %swap3A_155 = arith.constant 50 : i32
    %swap3A_156 = arith.constant 2 : i32
    %swap3A_157 = arith.index_cast %swap3A_155 : i32 to index
    %swap3A_158 = arith.index_cast %swap3A_156 : i32 to index
    %swap3A_159 = arith.constant 48 : index
    %swap3A_160 = tpu.vector_load %arg5[%swap3A_157, %swap3A_158, %swap3A_159] {strides = array<i32>} : memref<52x4x128xi32, #tpu.memory_space<vmem>>, vector<1x1x16xi32>,
    %swap3A_161 = vector.shape_cast %swap3A_160 : vector<1x1x16xi32> to vector<16xi32>
    %swap3A_162 = vector.shape_cast %broadcast_in_dim3A_3 : vector<16xi32> to vector<1x1x16xi32>
    tpu.vector_store %arg5[%swap3A_157, %swap3A_158, %swap3A_159], %swap3A_162 {strides = array<i32>} : memref<52x4x128xi32, #tpu.memory_space<vmem>>, vector<1x1x16xi32>,
    %swap3A_163 = arith.constant 50 : i32
    %swap3A_164 = arith.constant 2 : i32
    %swap3A_165 = arith.index_cast %swap3A_163 : i32 to index
    %swap3A_166 = arith.index_cast %swap3A_164 : i32 to index
    %swap3A_167 = arith.constant 64 : index
    %swap3A_168 = tpu.vector_load %arg5[%swap3A_165, %swap3A_166, %swap3A_167] {strides = array<i32>} : memref<52x4x128xi32, #tpu.memory_space<vmem>>, vector<1x1x16xi32>,
    %swap3A_169 = vector.shape_cast %swap3A_168 : vector<1x1x16xi32> to vector<16xi32>
    %swap3A_170 = vector.shape_cast %broadcast_in_dim3A_3 : vector<16xi32> to vector<1x1x16xi32>
    tpu.vector_store %arg5[%swap3A_165, %swap3A_166, %swap3A_167], %swap3A_170 {strides = array<i32>} : memref<52x4x128xi32, #tpu.memory_space<vmem>>, vector<1x1x16xi32>,
    %swap3A_171 = arith.constant 50 : i32
    %swap3A_172 = arith.constant 2 : i32
    %swap3A_173 = arith.index_cast %swap3A_171 : i32 to index
    %swap3A_174 = arith.index_cast %swap3A_172 : i32 to index
    %swap3A_175 = arith.constant 80 : index
    %swap3A_176 = tpu.vector_load %arg5[%swap3A_173, %swap3A_174, %swap3A_175] {strides = array<i32>} : memref<52x4x128xi32, #tpu.memory_space<vmem>>, vector<1x1x16xi32>,
    %swap3A_177 = vector.shape_cast %swap3A_176 : vector<1x1x16xi32> to vector<16xi32>
    %swap3A_178 = vector.shape_cast %broadcast_in_dim3A_3 : vector<16xi32> to vector<1x1x16xi32>
    tpu.vector_store %arg5[%swap3A_173, %swap3A_174, %swap3A_175], %swap3A_178 {strides = array<i32>} : memref<52x4x128xi32, #tpu.memory_space<vmem>>, vector<1x1x16xi32>,
    %swap3A_179 = arith.constant 50 : i32
    %swap3A_180 = arith.constant 2 : i32
    %swap3A_181 = arith.index_cast %swap3A_179 : i32 to index
    %swap3A_182 = arith.index_cast %swap3A_180 : i32 to index
    %swap3A_183 = arith.constant 96 : index
    %swap3A_184 = tpu.vector_load %arg5[%swap3A_181, %swap3A_182, %swap3A_183] {strides = array<i32>} : memref<52x4x128xi32, #tpu.memory_space<vmem>>, vector<1x1x16xi32>,
    %swap3A_185 = vector.shape_cast %swap3A_184 : vector<1x1x16xi32> to vector<16xi32>
    %swap3A_186 = vector.shape_cast %broadcast_in_dim3A_3 : vector<16xi32> to vector<1x1x16xi32>
    tpu.vector_store %arg5[%swap3A_181, %swap3A_182, %swap3A_183], %swap3A_186 {strides = array<i32>} : memref<52x4x128xi32, #tpu.memory_space<vmem>>, vector<1x1x16xi32>,
    %swap3A_187 = arith.constant 50 : i32
    %swap3A_188 = arith.constant 2 : i32
    %swap3A_189 = arith.index_cast %swap3A_187 : i32 to index
    %swap3A_190 = arith.index_cast %swap3A_188 : i32 to index
    %swap3A_191 = arith.constant 112 : index
    %swap3A_192 = tpu.vector_load %arg5[%swap3A_189, %swap3A_190, %swap3A_191] {strides = array<i32>} : memref<52x4x128xi32, #tpu.memory_space<vmem>>, vector<1x1x16xi32>,
    %swap3A_193 = vector.shape_cast %swap3A_192 : vector<1x1x16xi32> to vector<16xi32>
    %swap3A_194 = vector.shape_cast %broadcast_in_dim3A_3 : vector<16xi32> to vector<1x1x16xi32>
    tpu.vector_store %arg5[%swap3A_189, %swap3A_190, %swap3A_191], %swap3A_194 {strides = array<i32>} : memref<52x4x128xi32, #tpu.memory_space<vmem>>, vector<1x1x16xi32>,
    %swap3A_195 = arith.constant 50 : i32
    %swap3A_196 = arith.constant 3 : i32
    %swap3A_197 = arith.index_cast %swap3A_195 : i32 to index
    %swap3A_198 = arith.index_cast %swap3A_196 : i32 to index
    %swap3A_199 = arith.constant 0 : index
    %swap3A_200 = tpu.vector_load %arg5[%swap3A_197, %swap3A_198, %swap3A_199] {strides = array<i32>} : memref<52x4x128xi32, #tpu.memory_space<vmem>>, vector<1x1x16xi32>,
    %swap3A_201 = vector.shape_cast %swap3A_200 : vector<1x1x16xi32> to vector<16xi32>
    %swap3A_202 = vector.shape_cast %broadcast_in_dim3A_3 : vector<16xi32> to vector<1x1x16xi32>
    tpu.vector_store %arg5[%swap3A_197, %swap3A_198, %swap3A_199], %swap3A_202 {strides = array<i32>} : memref<52x4x128xi32, #tpu.memory_space<vmem>>, vector<1x1x16xi32>,
    %swap3A_203 = arith.constant 50 : i32
    %swap3A_204 = arith.constant 3 : i32
    %swap3A_205 = arith.index_cast %swap3A_203 : i32 to index
    %swap3A_206 = arith.index_cast %swap3A_204 : i32 to index
    %swap3A_207 = arith.constant 16 : index
    %swap3A_208 = tpu.vector_load %arg5[%swap3A_205, %swap3A_206, %swap3A_207] {strides = array<i32>} : memref<52x4x128xi32, #tpu.memory_space<vmem>>, vector<1x1x16xi32>,
    %swap3A_209 = vector.shape_cast %swap3A_208 : vector<1x1x16xi32> to vector<16xi32>
    %swap3A_210 = vector.shape_cast %broadcast_in_dim3A_3 : vector<16xi32> to vector<1x1x16xi32>
    tpu.vector_store %arg5[%swap3A_205, %swap3A_206, %swap3A_207], %swap3A_210 {strides = array<i32>} : memref<52x4x128xi32, #tpu.memory_space<vmem>>, vector<1x1x16xi32>,
    %swap3A_211 = arith.constant 50 : i32
    %swap3A_212 = arith.constant 3 : i32
    %swap3A_213 = arith.index_cast %swap3A_211 : i32 to index
    %swap3A_214 = arith.index_cast %swap3A_212 : i32 to index
    %swap3A_215 = arith.constant 32 : index
    %swap3A_216 = tpu.vector_load %arg5[%swap3A_213, %swap3A_214, %swap3A_215] {strides = array<i32>} : memref<52x4x128xi32, #tpu.memory_space<vmem>>, vector<1x1x16xi32>,
    %swap3A_217 = vector.shape_cast %swap3A_216 : vector<1x1x16xi32> to vector<16xi32>
    %swap3A_218 = vector.shape_cast %broadcast_in_dim3A_3 : vector<16xi32> to vector<1x1x16xi32>
    tpu.vector_store %arg5[%swap3A_213, %swap3A_214, %swap3A_215], %swap3A_218 {strides = array<i32>} : memref<52x4x128xi32, #tpu.memory_space<vmem>>, vector<1x1x16xi32>,
    %swap3A_219 = arith.constant 50 : i32
    %swap3A_220 = arith.constant 3 : i32
    %swap3A_221 = arith.index_cast %swap3A_219 : i32 to index
    %swap3A_222 = arith.index_cast %swap3A_220 : i32 to index
    %swap3A_223 = arith.constant 48 : index
    %swap3A_224 = tpu.vector_load %arg5[%swap3A_221, %swap3A_222, %swap3A_223] {strides = array<i32>} : memref<52x4x128xi32, #tpu.memory_space<vmem>>, vector<1x1x16xi32>,
    %swap3A_225 = vector.shape_cast %swap3A_224 : vector<1x1x16xi32> to vector<16xi32>
    %swap3A_226 = vector.shape_cast %broadcast_in_dim3A_3 : vector<16xi32> to vector<1x1x16xi32>
    tpu.vector_store %arg5[%swap3A_221, %swap3A_222, %swap3A_223], %swap3A_226 {strides = array<i32>} : memref<52x4x128xi32, #tpu.memory_space<vmem>>, vector<1x1x16xi32>,
    %swap3A_227 = arith.constant 50 : i32
    %swap3A_228 = arith.constant 3 : i32
    %swap3A_229 = arith.index_cast %swap3A_227 : i32 to index
    %swap3A_230 = arith.index_cast %swap3A_228 : i32 to index
    %swap3A_231 = arith.constant 64 : index
    %swap3A_232 = tpu.vector_load %arg5[%swap3A_229, %swap3A_230, %swap3A_231] {strides = array<i32>} : memref<52x4x128xi32, #tpu.memory_space<vmem>>, vector<1x1x16xi32>,
    %swap3A_233 = vector.shape_cast %swap3A_232 : vector<1x1x16xi32> to vector<16xi32>
    %swap3A_234 = vector.shape_cast %broadcast_in_dim3A_3 : vector<16xi32> to vector<1x1x16xi32>
    tpu.vector_store %arg5[%swap3A_229, %swap3A_230, %swap3A_231], %swap3A_234 {strides = array<i32>} : memref<52x4x128xi32, #tpu.memory_space<vmem>>, vector<1x1x16xi32>,
    %swap3A_235 = arith.constant 50 : i32
    %swap3A_236 = arith.constant 3 : i32
    %swap3A_237 = arith.index_cast %swap3A_235 : i32 to index
    %swap3A_238 = arith.index_cast %swap3A_236 : i32 to index
    %swap3A_239 = arith.constant 80 : index
    %swap3A_240 = tpu.vector_load %arg5[%swap3A_237, %swap3A_238, %swap3A_239] {strides = array<i32>} : memref<52x4x128xi32, #tpu.memory_space<vmem>>, vector<1x1x16xi32>,
    %swap3A_241 = vector.shape_cast %swap3A_240 : vector<1x1x16xi32> to vector<16xi32>
    %swap3A_242 = vector.shape_cast %broadcast_in_dim3A_3 : vector<16xi32> to vector<1x1x16xi32>
    tpu.vector_store %arg5[%swap3A_237, %swap3A_238, %swap3A_239], %swap3A_242 {strides = array<i32>} : memref<52x4x128xi32, #tpu.memory_space<vmem>>, vector<1x1x16xi32>,
    %swap3A_243 = arith.constant 50 : i32
    %swap3A_244 = arith.constant 3 : i32
    %swap3A_245 = arith.index_cast %swap3A_243 : i32 to index
    %swap3A_246 = arith.index_cast %swap3A_244 : i32 to index
    %swap3A_247 = arith.constant 96 : index
    %swap3A_248 = tpu.vector_load %arg5[%swap3A_245, %swap3A_246, %swap3A_247] {strides = array<i32>} : memref<52x4x128xi32, #tpu.memory_space<vmem>>, vector<1x1x16xi32>,
    %swap3A_249 = vector.shape_cast %swap3A_248 : vector<1x1x16xi32> to vector<16xi32>
    %swap3A_250 = vector.shape_cast %broadcast_in_dim3A_3 : vector<16xi32> to vector<1x1x16xi32>
    tpu.vector_store %arg5[%swap3A_245, %swap3A_246, %swap3A_247], %swap3A_250 {strides = array<i32>} : memref<52x4x128xi32, #tpu.memory_space<vmem>>, vector<1x1x16xi32>,
    %swap3A_251 = arith.constant 50 : i32
    %swap3A_252 = arith.constant 3 : i32
    %swap3A_253 = arith.index_cast %swap3A_251 : i32 to index
    %swap3A_254 = arith.index_cast %swap3A_252 : i32 to index
    %swap3A_255 = arith.constant 112 : index
    %swap3A_256 = tpu.vector_load %arg5[%swap3A_253, %swap3A_254, %swap3A_255] {strides = array<i32>} : memref<52x4x128xi32, #tpu.memory_space<vmem>>, vector<1x1x16xi32>,
    %swap3A_257 = vector.shape_cast %swap3A_256 : vector<1x1x16xi32> to vector<16xi32>
    %swap3A_258 = vector.shape_cast %broadcast_in_dim3A_3 : vector<16xi32> to vector<1x1x16xi32>
    tpu.vector_store %arg5[%swap3A_253, %swap3A_254, %swap3A_255], %swap3A_258 {strides = array<i32>} : memref<52x4x128xi32, #tpu.memory_space<vmem>>, vector<1x1x16xi32>,
    %swap3A_259 = arith.constant 51 : i32
    %swap3A_260 = arith.constant 0 : i32
    %swap3A_261 = arith.index_cast %swap3A_259 : i32 to index
    %swap3A_262 = arith.index_cast %swap3A_260 : i32 to index
    %swap3A_263 = arith.constant 0 : index
    %swap3A_264 = tpu.vector_load %arg5[%swap3A_261, %swap3A_262, %swap3A_263] {strides = array<i32>} : memref<52x4x128xi32, #tpu.memory_space<vmem>>, vector<1x1x16xi32>,
    %swap3A_265 = vector.shape_cast %swap3A_264 : vector<1x1x16xi32> to vector<16xi32>
    %swap3A_266 = vector.shape_cast %broadcast_in_dim3A_3 : vector<16xi32> to vector<1x1x16xi32>
    tpu.vector_store %arg5[%swap3A_261, %swap3A_262, %swap3A_263], %swap3A_266 {strides = array<i32>} : memref<52x4x128xi32, #tpu.memory_space<vmem>>, vector<1x1x16xi32>,
    %swap3A_267 = arith.constant 51 : i32
    %swap3A_268 = arith.constant 0 : i32
    %swap3A_269 = arith.index_cast %swap3A_267 : i32 to index
    %swap3A_270 = arith.index_cast %swap3A_268 : i32 to index
    %swap3A_271 = arith.constant 16 : index
    %swap3A_272 = tpu.vector_load %arg5[%swap3A_269, %swap3A_270, %swap3A_271] {strides = array<i32>} : memref<52x4x128xi32, #tpu.memory_space<vmem>>, vector<1x1x16xi32>,
    %swap3A_273 = vector.shape_cast %swap3A_272 : vector<1x1x16xi32> to vector<16xi32>
    %swap3A_274 = vector.shape_cast %broadcast_in_dim3A_3 : vector<16xi32> to vector<1x1x16xi32>
    tpu.vector_store %arg5[%swap3A_269, %swap3A_270, %swap3A_271], %swap3A_274 {strides = array<i32>} : memref<52x4x128xi32, #tpu.memory_space<vmem>>, vector<1x1x16xi32>,
    %swap3A_275 = arith.constant 51 : i32
    %swap3A_276 = arith.constant 0 : i32
    %swap3A_277 = arith.index_cast %swap3A_275 : i32 to index
    %swap3A_278 = arith.index_cast %swap3A_276 : i32 to index
    %swap3A_279 = arith.constant 32 : index
    %swap3A_280 = tpu.vector_load %arg5[%swap3A_277, %swap3A_278, %swap3A_279] {strides = array<i32>} : memref<52x4x128xi32, #tpu.memory_space<vmem>>, vector<1x1x16xi32>,
    %swap3A_281 = vector.shape_cast %swap3A_280 : vector<1x1x16xi32> to vector<16xi32>
    %swap3A_282 = vector.shape_cast %broadcast_in_dim3A_3 : vector<16xi32> to vector<1x1x16xi32>
    tpu.vector_store %arg5[%swap3A_277, %swap3A_278, %swap3A_279], %swap3A_282 {strides = array<i32>} : memref<52x4x128xi32, #tpu.memory_space<vmem>>, vector<1x1x16xi32>,
    %swap3A_283 = arith.constant 51 : i32
    %swap3A_284 = arith.constant 0 : i32
    %swap3A_285 = arith.index_cast %swap3A_283 : i32 to index
    %swap3A_286 = arith.index_cast %swap3A_284 : i32 to index
    %swap3A_287 = arith.constant 48 : index
    %swap3A_288 = tpu.vector_load %arg5[%swap3A_285, %swap3A_286, %swap3A_287] {strides = array<i32>} : memref<52x4x128xi32, #tpu.memory_space<vmem>>, vector<1x1x16xi32>,
    %swap3A_289 = vector.shape_cast %swap3A_288 : vector<1x1x16xi32> to vector<16xi32>
    %swap3A_290 = vector.shape_cast %broadcast_in_dim3A_3 : vector<16xi32> to vector<1x1x16xi32>
    tpu.vector_store %arg5[%swap3A_285, %swap3A_286, %swap3A_287], %swap3A_290 {strides = array<i32>} : memref<52x4x128xi32, #tpu.memory_space<vmem>>, vector<1x1x16xi32>,
    %swap3A_291 = arith.constant 51 : i32
    %swap3A_292 = arith.constant 0 : i32
    %swap3A_293 = arith.index_cast %swap3A_291 : i32 to index
    %swap3A_294 = arith.index_cast %swap3A_292 : i32 to index
    %swap3A_295 = arith.constant 64 : index
    %swap3A_296 = tpu.vector_load %arg5[%swap3A_293, %swap3A_294, %swap3A_295] {strides = array<i32>} : memref<52x4x128xi32, #tpu.memory_space<vmem>>, vector<1x1x16xi32>,
    %swap3A_297 = vector.shape_cast %swap3A_296 : vector<1x1x16xi32> to vector<16xi32>
    %swap3A_298 = vector.shape_cast %broadcast_in_dim3A_3 : vector<16xi32> to vector<1x1x16xi32>
    tpu.vector_store %arg5[%swap3A_293, %swap3A_294, %swap3A_295], %swap3A_298 {strides = array<i32>} : memref<52x4x128xi32, #tpu.memory_space<vmem>>, vector<1x1x16xi32>,
    %swap3A_299 = arith.constant 51 : i32
    %swap3A_300 = arith.constant 0 : i32
    %swap3A_301 = arith.index_cast %swap3A_299 : i32 to index
    %swap3A_302 = arith.index_cast %swap3A_300 : i32 to index
    %swap3A_303 = arith.constant 80 : index
    %swap3A_304 = tpu.vector_load %arg5[%swap3A_301, %swap3A_302, %swap3A_303] {strides = array<i32>} : memref<52x4x128xi32, #tpu.memory_space<vmem>>, vector<1x1x16xi32>,
    %swap3A_305 = vector.shape_cast %swap3A_304 : vector<1x1x16xi32> to vector<16xi32>
    %swap3A_306 = vector.shape_cast %broadcast_in_dim3A_3 : vector<16xi32> to vector<1x1x16xi32>
    tpu.vector_store %arg5[%swap3A_301, %swap3A_302, %swap3A_303], %swap3A_306 {strides = array<i32>} : memref<52x4x128xi32, #tpu.memory_space<vmem>>, vector<1x1x16xi32>,
    %swap3A_307 = arith.constant 51 : i32
    %swap3A_308 = arith.constant 0 : i32
    %swap3A_309 = arith.index_cast %swap3A_307 : i32 to index
    %swap3A_310 = arith.index_cast %swap3A_308 : i32 to index
    %swap3A_311 = arith.constant 96 : index
    %swap3A_312 = tpu.vector_load %arg5[%swap3A_309, %swap3A_310, %swap3A_311] {strides = array<i32>} : memref<52x4x128xi32, #tpu.memory_space<vmem>>, vector<1x1x16xi32>,
    %swap3A_313 = vector.shape_cast %swap3A_312 : vector<1x1x16xi32> to vector<16xi32>
    %swap3A_314 = vector.shape_cast %broadcast_in_dim3A_3 : vector<16xi32> to vector<1x1x16xi32>
    tpu.vector_store %arg5[%swap3A_309, %swap3A_310, %swap3A_311], %swap3A_314 {strides = array<i32>} : memref<52x4x128xi32, #tpu.memory_space<vmem>>, vector<1x1x16xi32>,
    %swap3A_315 = arith.constant 51 : i32
    %swap3A_316 = arith.constant 0 : i32
    %swap3A_317 = arith.index_cast %swap3A_315 : i32 to index
    %swap3A_318 = arith.index_cast %swap3A_316 : i32 to index
    %swap3A_319 = arith.constant 112 : index
    %swap3A_320 = tpu.vector_load %arg5[%swap3A_317, %swap3A_318, %swap3A_319] {strides = array<i32>} : memref<52x4x128xi32, #tpu.memory_space<vmem>>, vector<1x1x16xi32>,
    %swap3A_321 = vector.shape_cast %swap3A_320 : vector<1x1x16xi32> to vector<16xi32>
    %swap3A_322 = vector.shape_cast %broadcast_in_dim3A_3 : vector<16xi32> to vector<1x1x16xi32>
    tpu.vector_store %arg5[%swap3A_317, %swap3A_318, %swap3A_319], %swap3A_322 {strides = array<i32>} : memref<52x4x128xi32, #tpu.memory_space<vmem>>, vector<1x1x16xi32>,
    %swap3A_323 = arith.constant 51 : i32
    %swap3A_324 = arith.constant 1 : i32
    %swap3A_325 = arith.index_cast %swap3A_323 : i32 to index
    %swap3A_326 = arith.index_cast %swap3A_324 : i32 to index
    %swap3A_327 = arith.constant 0 : index
    %swap3A_328 = tpu.vector_load %arg5[%swap3A_325, %swap3A_326, %swap3A_327] {strides = array<i32>} : memref<52x4x128xi32, #tpu.memory_space<vmem>>, vector<1x1x16xi32>,
    %swap3A_329 = vector.shape_cast %swap3A_328 : vector<1x1x16xi32> to vector<16xi32>
    %swap3A_330 = vector.shape_cast %broadcast_in_dim3A_3 : vector<16xi32> to vector<1x1x16xi32>
    tpu.vector_store %arg5[%swap3A_325, %swap3A_326, %swap3A_327], %swap3A_330 {strides = array<i32>} : memref<52x4x128xi32, #tpu.memory_space<vmem>>, vector<1x1x16xi32>,
    %swap3A_331 = arith.constant 51 : i32
    %swap3A_332 = arith.constant 1 : i32
    %swap3A_333 = arith.index_cast %swap3A_331 : i32 to index
    %swap3A_334 = arith.index_cast %swap3A_332 : i32 to index
    %swap3A_335 = arith.constant 16 : index
    %swap3A_336 = tpu.vector_load %arg5[%swap3A_333, %swap3A_334, %swap3A_335] {strides = array<i32>} : memref<52x4x128xi32, #tpu.memory_space<vmem>>, vector<1x1x16xi32>,
    %swap3A_337 = vector.shape_cast %swap3A_336 : vector<1x1x16xi32> to vector<16xi32>
    %swap3A_338 = vector.shape_cast %broadcast_in_dim3A_3 : vector<16xi32> to vector<1x1x16xi32>
    tpu.vector_store %arg5[%swap3A_333, %swap3A_334, %swap3A_335], %swap3A_338 {strides = array<i32>} : memref<52x4x128xi32, #tpu.memory_space<vmem>>, vector<1x1x16xi32>,
    %swap3A_339 = arith.constant 51 : i32
    %swap3A_340 = arith.constant 1 : i32
    %swap3A_341 = arith.index_cast %swap3A_339 : i32 to index
    %swap3A_342 = arith.index_cast %swap3A_340 : i32 to index
    %swap3A_343 = arith.constant 32 : index
    %swap3A_344 = tpu.vector_load %arg5[%swap3A_341, %swap3A_342, %swap3A_343] {strides = array<i32>} : memref<52x4x128xi32, #tpu.memory_space<vmem>>, vector<1x1x16xi32>,
    %swap3A_345 = vector.shape_cast %swap3A_344 : vector<1x1x16xi32> to vector<16xi32>
    %swap3A_346 = vector.shape_cast %broadcast_in_dim3A_3 : vector<16xi32> to vector<1x1x16xi32>
    tpu.vector_store %arg5[%swap3A_341, %swap3A_342, %swap3A_343], %swap3A_346 {strides = array<i32>} : memref<52x4x128xi32, #tpu.memory_space<vmem>>, vector<1x1x16xi32>,
    %swap3A_347 = arith.constant 51 : i32
    %swap3A_348 = arith.constant 1 : i32
    %swap3A_349 = arith.index_cast %swap3A_347 : i32 to index
    %swap3A_350 = arith.index_cast %swap3A_348 : i32 to index
    %swap3A_351 = arith.constant 48 : index
    %swap3A_352 = tpu.vector_load %arg5[%swap3A_349, %swap3A_350, %swap3A_351] {strides = array<i32>} : memref<52x4x128xi32, #tpu.memory_space<vmem>>, vector<1x1x16xi32>,
    %swap3A_353 = vector.shape_cast %swap3A_352 : vector<1x1x16xi32> to vector<16xi32>
    %swap3A_354 = vector.shape_cast %broadcast_in_dim3A_3 : vector<16xi32> to vector<1x1x16xi32>
    tpu.vector_store %arg5[%swap3A_349, %swap3A_350, %swap3A_351], %swap3A_354 {strides = array<i32>} : memref<52x4x128xi32, #tpu.memory_space<vmem>>, vector<1x1x16xi32>,
    %swap3A_355 = arith.constant 51 : i32
    %swap3A_356 = arith.constant 1 : i32
    %swap3A_357 = arith.index_cast %swap3A_355 : i32 to index
    %swap3A_358 = arith.index_cast %swap3A_356 : i32 to index
    %swap3A_359 = arith.constant 64 : index
    %swap3A_360 = tpu.vector_load %arg5[%swap3A_357, %swap3A_358, %swap3A_359] {strides = array<i32>} : memref<52x4x128xi32, #tpu.memory_space<vmem>>, vector<1x1x16xi32>,
    %swap3A_361 = vector.shape_cast %swap3A_360 : vector<1x1x16xi32> to vector<16xi32>
    %swap3A_362 = vector.shape_cast %broadcast_in_dim3A_3 : vector<16xi32> to vector<1x1x16xi32>
    tpu.vector_store %arg5[%swap3A_357, %swap3A_358, %swap3A_359], %swap3A_362 {strides = array<i32>} : memref<52x4x128xi32, #tpu.memory_space<vmem>>, vector<1x1x16xi32>,
    %swap3A_363 = arith.constant 51 : i32
    %swap3A_364 = arith.constant 1 : i32
    %swap3A_365 = arith.index_cast %swap3A_363 : i32 to index
    %swap3A_366 = arith.index_cast %swap3A_364 : i32 to index
    %swap3A_367 = arith.constant 80 : index
    %swap3A_368 = tpu.vector_load %arg5[%swap3A_365, %swap3A_366, %swap3A_367] {strides = array<i32>} : memref<52x4x128xi32, #tpu.memory_space<vmem>>, vector<1x1x16xi32>,
    %swap3A_369 = vector.shape_cast %swap3A_368 : vector<1x1x16xi32> to vector<16xi32>
    %swap3A_370 = vector.shape_cast %broadcast_in_dim3A_3 : vector<16xi32> to vector<1x1x16xi32>
    tpu.vector_store %arg5[%swap3A_365, %swap3A_366, %swap3A_367], %swap3A_370 {strides = array<i32>} : memref<52x4x128xi32, #tpu.memory_space<vmem>>, vector<1x1x16xi32>,
    %swap3A_371 = arith.constant 51 : i32
    %swap3A_372 = arith.constant 1 : i32
    %swap3A_373 = arith.index_cast %swap3A_371 : i32 to index
    %swap3A_374 = arith.index_cast %swap3A_372 : i32 to index
    %swap3A_375 = arith.constant 96 : index
    %swap3A_376 = tpu.vector_load %arg5[%swap3A_373, %swap3A_374, %swap3A_375] {strides = array<i32>} : memref<52x4x128xi32, #tpu.memory_space<vmem>>, vector<1x1x16xi32>,
    %swap3A_377 = vector.shape_cast %swap3A_376 : vector<1x1x16xi32> to vector<16xi32>
    %swap3A_378 = vector.shape_cast %broadcast_in_dim3A_3 : vector<16xi32> to vector<1x1x16xi32>
    tpu.vector_store %arg5[%swap3A_373, %swap3A_374, %swap3A_375], %swap3A_378 {strides = array<i32>} : memref<52x4x128xi32, #tpu.memory_space<vmem>>, vector<1x1x16xi32>,
    %swap3A_379 = arith.constant 51 : i32
    %swap3A_380 = arith.constant 1 : i32
    %swap3A_381 = arith.index_cast %swap3A_379 : i32 to index
    %swap3A_382 = arith.index_cast %swap3A_380 : i32 to index
    %swap3A_383 = arith.constant 112 : index
    %swap3A_384 = tpu.vector_load %arg5[%swap3A_381, %swap3A_382, %swap3A_383] {strides = array<i32>} : memref<52x4x128xi32, #tpu.memory_space<vmem>>, vector<1x1x16xi32>,
    %swap3A_385 = vector.shape_cast %swap3A_384 : vector<1x1x16xi32> to vector<16xi32>
    %swap3A_386 = vector.shape_cast %broadcast_in_dim3A_3 : vector<16xi32> to vector<1x1x16xi32>
    tpu.vector_store %arg5[%swap3A_381, %swap3A_382, %swap3A_383], %swap3A_386 {strides = array<i32>} : memref<52x4x128xi32, #tpu.memory_space<vmem>>, vector<1x1x16xi32>,
    %swap3A_387 = arith.constant 51 : i32
    %swap3A_388 = arith.constant 2 : i32
    %swap3A_389 = arith.index_cast %swap3A_387 : i32 to index
    %swap3A_390 = arith.index_cast %swap3A_388 : i32 to index
    %swap3A_391 = arith.constant 0 : index
    %swap3A_392 = tpu.vector_load %arg5[%swap3A_389, %swap3A_390, %swap3A_391] {strides = array<i32>} : memref<52x4x128xi32, #tpu.memory_space<vmem>>, vector<1x1x16xi32>,
    %swap3A_393 = vector.shape_cast %swap3A_392 : vector<1x1x16xi32> to vector<16xi32>
    %swap3A_394 = vector.shape_cast %broadcast_in_dim3A_3 : vector<16xi32> to vector<1x1x16xi32>
    tpu.vector_store %arg5[%swap3A_389, %swap3A_390, %swap3A_391], %swap3A_394 {strides = array<i32>} : memref<52x4x128xi32, #tpu.memory_space<vmem>>, vector<1x1x16xi32>,
    %swap3A_395 = arith.constant 51 : i32
    %swap3A_396 = arith.constant 2 : i32
    %swap3A_397 = arith.index_cast %swap3A_395 : i32 to index
    %swap3A_398 = arith.index_cast %swap3A_396 : i32 to index
    %swap3A_399 = arith.constant 16 : index
    %swap3A_400 = tpu.vector_load %arg5[%swap3A_397, %swap3A_398, %swap3A_399] {strides = array<i32>} : memref<52x4x128xi32, #tpu.memory_space<vmem>>, vector<1x1x16xi32>,
    %swap3A_401 = vector.shape_cast %swap3A_400 : vector<1x1x16xi32> to vector<16xi32>
    %swap3A_402 = vector.shape_cast %broadcast_in_dim3A_3 : vector<16xi32> to vector<1x1x16xi32>
    tpu.vector_store %arg5[%swap3A_397, %swap3A_398, %swap3A_399], %swap3A_402 {strides = array<i32>} : memref<52x4x128xi32, #tpu.memory_space<vmem>>, vector<1x1x16xi32>,
    %swap3A_403 = arith.constant 51 : i32
    %swap3A_404 = arith.constant 2 : i32
    %swap3A_405 = arith.index_cast %swap3A_403 : i32 to index
    %swap3A_406 = arith.index_cast %swap3A_404 : i32 to index
    %swap3A_407 = arith.constant 32 : index
    %swap3A_408 = tpu.vector_load %arg5[%swap3A_405, %swap3A_406, %swap3A_407] {strides = array<i32>} : memref<52x4x128xi32, #tpu.memory_space<vmem>>, vector<1x1x16xi32>,
    %swap3A_409 = vector.shape_cast %swap3A_408 : vector<1x1x16xi32> to vector<16xi32>
    %swap3A_410 = vector.shape_cast %broadcast_in_dim3A_3 : vector<16xi32> to vector<1x1x16xi32>
    tpu.vector_store %arg5[%swap3A_405, %swap3A_406, %swap3A_407], %swap3A_410 {strides = array<i32>} : memref<52x4x128xi32, #tpu.memory_space<vmem>>, vector<1x1x16xi32>,
    %swap3A_411 = arith.constant 51 : i32
    %swap3A_412 = arith.constant 2 : i32
    %swap3A_413 = arith.index_cast %swap3A_411 : i32 to index
    %swap3A_414 = arith.index_cast %swap3A_412 : i32 to index
    %swap3A_415 = arith.constant 48 : index
    %swap3A_416 = tpu.vector_load %arg5[%swap3A_413, %swap3A_414, %swap3A_415] {strides = array<i32>} : memref<52x4x128xi32, #tpu.memory_space<vmem>>, vector<1x1x16xi32>,
    %swap3A_417 = vector.shape_cast %swap3A_416 : vector<1x1x16xi32> to vector<16xi32>
    %swap3A_418 = vector.shape_cast %broadcast_in_dim3A_3 : vector<16xi32> to vector<1x1x16xi32>
    tpu.vector_store %arg5[%swap3A_413, %swap3A_414, %swap3A_415], %swap3A_418 {strides = array<i32>} : memref<52x4x128xi32, #tpu.memory_space<vmem>>, vector<1x1x16xi32>,
    %swap3A_419 = arith.constant 51 : i32
    %swap3A_420 = arith.constant 2 : i32
    %swap3A_421 = arith.index_cast %swap3A_419 : i32 to index
    %swap3A_422 = arith.index_cast %swap3A_420 : i32 to index
    %swap3A_423 = arith.constant 64 : index
    %swap3A_424 = tpu.vector_load %arg5[%swap3A_421, %swap3A_422, %swap3A_423] {strides = array<i32>} : memref<52x4x128xi32, #tpu.memory_space<vmem>>, vector<1x1x16xi32>,
    %swap3A_425 = vector.shape_cast %swap3A_424 : vector<1x1x16xi32> to vector<16xi32>
    %swap3A_426 = vector.shape_cast %broadcast_in_dim3A_3 : vector<16xi32> to vector<1x1x16xi32>
    tpu.vector_store %arg5[%swap3A_421, %swap3A_422, %swap3A_423], %swap3A_426 {strides = array<i32>} : memref<52x4x128xi32, #tpu.memory_space<vmem>>, vector<1x1x16xi32>,
    %swap3A_427 = arith.constant 51 : i32
    %swap3A_428 = arith.constant 2 : i32
    %swap3A_429 = arith.index_cast %swap3A_427 : i32 to index
    %swap3A_430 = arith.index_cast %swap3A_428 : i32 to index
    %swap3A_431 = arith.constant 80 : index
    %swap3A_432 = tpu.vector_load %arg5[%swap3A_429, %swap3A_430, %swap3A_431] {strides = array<i32>} : memref<52x4x128xi32, #tpu.memory_space<vmem>>, vector<1x1x16xi32>,
    %swap3A_433 = vector.shape_cast %swap3A_432 : vector<1x1x16xi32> to vector<16xi32>
    %swap3A_434 = vector.shape_cast %broadcast_in_dim3A_3 : vector<16xi32> to vector<1x1x16xi32>
    tpu.vector_store %arg5[%swap3A_429, %swap3A_430, %swap3A_431], %swap3A_434 {strides = array<i32>} : memref<52x4x128xi32, #tpu.memory_space<vmem>>, vector<1x1x16xi32>,
    %swap3A_435 = arith.constant 51 : i32
    %swap3A_436 = arith.constant 2 : i32
    %swap3A_437 = arith.index_cast %swap3A_435 : i32 to index
    %swap3A_438 = arith.index_cast %swap3A_436 : i32 to index
    %swap3A_439 = arith.constant 96 : index
    %swap3A_440 = tpu.vector_load %arg5[%swap3A_437, %swap3A_438, %swap3A_439] {strides = array<i32>} : memref<52x4x128xi32, #tpu.memory_space<vmem>>, vector<1x1x16xi32>,
    %swap3A_441 = vector.shape_cast %swap3A_440 : vector<1x1x16xi32> to vector<16xi32>
    %swap3A_442 = vector.shape_cast %broadcast_in_dim3A_3 : vector<16xi32> to vector<1x1x16xi32>
    tpu.vector_store %arg5[%swap3A_437, %swap3A_438, %swap3A_439], %swap3A_442 {strides = array<i32>} : memref<52x4x128xi32, #tpu.memory_space<vmem>>, vector<1x1x16xi32>,
    %swap3A_443 = arith.constant 51 : i32
    %swap3A_444 = arith.constant 2 : i32
    %swap3A_445 = arith.index_cast %swap3A_443 : i32 to index
    %swap3A_446 = arith.index_cast %swap3A_444 : i32 to index
    %swap3A_447 = arith.constant 112 : index
    %swap3A_448 = tpu.vector_load %arg5[%swap3A_445, %swap3A_446, %swap3A_447] {strides = array<i32>} : memref<52x4x128xi32, #tpu.memory_space<vmem>>, vector<1x1x16xi32>,
    %swap3A_449 = vector.shape_cast %swap3A_448 : vector<1x1x16xi32> to vector<16xi32>
    %swap3A_450 = vector.shape_cast %broadcast_in_dim3A_3 : vector<16xi32> to vector<1x1x16xi32>
    tpu.vector_store %arg5[%swap3A_445, %swap3A_446, %swap3A_447], %swap3A_450 {strides = array<i32>} : memref<52x4x128xi32, #tpu.memory_space<vmem>>, vector<1x1x16xi32>,
    %swap3A_451 = arith.constant 51 : i32
    %swap3A_452 = arith.constant 3 : i32
    %swap3A_453 = arith.index_cast %swap3A_451 : i32 to index
    %swap3A_454 = arith.index_cast %swap3A_452 : i32 to index
    %swap3A_455 = arith.constant 0 : index
    %swap3A_456 = tpu.vector_load %arg5[%swap3A_453, %swap3A_454, %swap3A_455] {strides = array<i32>} : memref<52x4x128xi32, #tpu.memory_space<vmem>>, vector<1x1x16xi32>,
    %swap3A_457 = vector.shape_cast %swap3A_456 : vector<1x1x16xi32> to vector<16xi32>
    %swap3A_458 = vector.shape_cast %broadcast_in_dim3A_3 : vector<16xi32> to vector<1x1x16xi32>
    tpu.vector_store %arg5[%swap3A_453, %swap3A_454, %swap3A_455], %swap3A_458 {strides = array<i32>} : memref<52x4x128xi32, #tpu.memory_space<vmem>>, vector<1x1x16xi32>,
    %swap3A_459 = arith.constant 51 : i32
    %swap3A_460 = arith.constant 3 : i32
    %swap3A_461 = arith.index_cast %swap3A_459 : i32 to index
    %swap3A_462 = arith.index_cast %swap3A_460 : i32 to index
    %swap3A_463 = arith.constant 16 : index
    %swap3A_464 = tpu.vector_load %arg5[%swap3A_461, %swap3A_462, %swap3A_463] {strides = array<i32>} : memref<52x4x128xi32, #tpu.memory_space<vmem>>, vector<1x1x16xi32>,
    %swap3A_465 = vector.shape_cast %swap3A_464 : vector<1x1x16xi32> to vector<16xi32>
    %swap3A_466 = vector.shape_cast %broadcast_in_dim3A_3 : vector<16xi32> to vector<1x1x16xi32>
    tpu.vector_store %arg5[%swap3A_461, %swap3A_462, %swap3A_463], %swap3A_466 {strides = array<i32>} : memref<52x4x128xi32, #tpu.memory_space<vmem>>, vector<1x1x16xi32>,
    %swap3A_467 = arith.constant 51 : i32
    %swap3A_468 = arith.constant 3 : i32
    %swap3A_469 = arith.index_cast %swap3A_467 : i32 to index
    %swap3A_470 = arith.index_cast %swap3A_468 : i32 to index
    %swap3A_471 = arith.constant 32 : index
    %swap3A_472 = tpu.vector_load %arg5[%swap3A_469, %swap3A_470, %swap3A_471] {strides = array<i32>} : memref<52x4x128xi32, #tpu.memory_space<vmem>>, vector<1x1x16xi32>,
    %swap3A_473 = vector.shape_cast %swap3A_472 : vector<1x1x16xi32> to vector<16xi32>
    %swap3A_474 = vector.shape_cast %broadcast_in_dim3A_3 : vector<16xi32> to vector<1x1x16xi32>
    tpu.vector_store %arg5[%swap3A_469, %swap3A_470, %swap3A_471], %swap3A_474 {strides = array<i32>} : memref<52x4x128xi32, #tpu.memory_space<vmem>>, vector<1x1x16xi32>,
    %swap3A_475 = arith.constant 51 : i32
    %swap3A_476 = arith.constant 3 : i32
    %swap3A_477 = arith.index_cast %swap3A_475 : i32 to index
    %swap3A_478 = arith.index_cast %swap3A_476 : i32 to index
    %swap3A_479 = arith.constant 48 : index
    %swap3A_480 = tpu.vector_load %arg5[%swap3A_477, %swap3A_478, %swap3A_479] {strides = array<i32>} : memref<52x4x128xi32, #tpu.memory_space<vmem>>, vector<1x1x16xi32>,
    %swap3A_481 = vector.shape_cast %swap3A_480 : vector<1x1x16xi32> to vector<16xi32>
    %swap3A_482 = vector.shape_cast %broadcast_in_dim3A_3 : vector<16xi32> to vector<1x1x16xi32>
    tpu.vector_store %arg5[%swap3A_477, %swap3A_478, %swap3A_479], %swap3A_482 {strides = array<i32>} : memref<52x4x128xi32, #tpu.memory_space<vmem>>, vector<1x1x16xi32>,
    %swap3A_483 = arith.constant 51 : i32
    %swap3A_484 = arith.constant 3 : i32
    %swap3A_485 = arith.index_cast %swap3A_483 : i32 to index
    %swap3A_486 = arith.index_cast %swap3A_484 : i32 to index
    %swap3A_487 = arith.constant 64 : index
    %swap3A_488 = tpu.vector_load %arg5[%swap3A_485, %swap3A_486, %swap3A_487] {strides = array<i32>} : memref<52x4x128xi32, #tpu.memory_space<vmem>>, vector<1x1x16xi32>,
    %swap3A_489 = vector.shape_cast %swap3A_488 : vector<1x1x16xi32> to vector<16xi32>
    %swap3A_490 = vector.shape_cast %broadcast_in_dim3A_3 : vector<16xi32> to vector<1x1x16xi32>
    tpu.vector_store %arg5[%swap3A_485, %swap3A_486, %swap3A_487], %swap3A_490 {strides = array<i32>} : memref<52x4x128xi32, #tpu.memory_space<vmem>>, vector<1x1x16xi32>,
    %swap3A_491 = arith.constant 51 : i32
    %swap3A_492 = arith.constant 3 : i32
    %swap3A_493 = arith.index_cast %swap3A_491 : i32 to index
    %swap3A_494 = arith.index_cast %swap3A_492 : i32 to index
    %swap3A_495 = arith.constant 80 : index
    %swap3A_496 = tpu.vector_load %arg5[%swap3A_493, %swap3A_494, %swap3A_495] {strides = array<i32>} : memref<52x4x128xi32, #tpu.memory_space<vmem>>, vector<1x1x16xi32>,
    %swap3A_497 = vector.shape_cast %swap3A_496 : vector<1x1x16xi32> to vector<16xi32>
    %swap3A_498 = vector.shape_cast %broadcast_in_dim3A_3 : vector<16xi32> to vector<1x1x16xi32>
    tpu.vector_store %arg5[%swap3A_493, %swap3A_494, %swap3A_495], %swap3A_498 {strides = array<i32>} : memref<52x4x128xi32, #tpu.memory_space<vmem>>, vector<1x1x16xi32>,
    %swap3A_499 = arith.constant 51 : i32
    %swap3A_500 = arith.constant 3 : i32
    %swap3A_501 = arith.index_cast %swap3A_499 : i32 to index
    %swap3A_502 = arith.index_cast %swap3A_500 : i32 to index
    %swap3A_503 = arith.constant 96 : index
    %swap3A_504 = tpu.vector_load %arg5[%swap3A_501, %swap3A_502, %swap3A_503] {strides = array<i32>} : memref<52x4x128xi32, #tpu.memory_space<vmem>>, vector<1x1x16xi32>,
    %swap3A_505 = vector.shape_cast %swap3A_504 : vector<1x1x16xi32> to vector<16xi32>
    %swap3A_506 = vector.shape_cast %broadcast_in_dim3A_3 : vector<16xi32> to vector<1x1x16xi32>
    tpu.vector_store %arg5[%swap3A_501, %swap3A_502, %swap3A_503], %swap3A_506 {strides = array<i32>} : memref<52x4x128xi32, #tpu.memory_space<vmem>>, vector<1x1x16xi32>,
    %swap3A_507 = arith.constant 51 : i32
    %swap3A_508 = arith.constant 3 : i32
    %swap3A_509 = arith.index_cast %swap3A_507 : i32 to index
    %swap3A_510 = arith.index_cast %swap3A_508 : i32 to index
    %swap3A_511 = arith.constant 112 : index
    %swap3A_512 = tpu.vector_load %arg5[%swap3A_509, %swap3A_510, %swap3A_511] {strides = array<i32>} : memref<52x4x128xi32, #tpu.memory_space<vmem>>, vector<1x1x16xi32>,
    %swap3A_513 = vector.shape_cast %swap3A_512 : vector<1x1x16xi32> to vector<16xi32>
    %swap3A_514 = vector.shape_cast %broadcast_in_dim3A_3 : vector<16xi32> to vector<1x1x16xi32>
    tpu.vector_store %arg5[%swap3A_509, %swap3A_510, %swap3A_511], %swap3A_514 {strides = array<i32>} : memref<52x4x128xi32, #tpu.memory_space<vmem>>, vector<1x1x16xi32>,
    %dma_start3A = arith.constant 0 : i32
    %dma_start3A_515 = arith.constant 0 : i32
    %dma_start3A_516 = arith.constant 0 : i32
    %dma_start3A_517 = arith.constant 0 : i32
    %dma_start3A_518 = arith.constant 0 : i32
    %dma_start3A_519 = arith.constant 0 : i32
    %dma_start3A_520 = tpu.memref_slice %arg6[%dma_start3A_516, %dma_start3A_517, %dma_start3A_518, %dma_start3A_519] : memref<2x4x128x32xf32, #tpu.memory_space<vmem>> -> memref<1x1x128x32xf32, #tpu.memory_space<vmem>>
    %dma_start3A_521 = tpu.memref_squeeze %dma_start3A_520 : memref<1x1x128x32xf32, #tpu.memory_space<vmem>> -> memref<128x32xf32, #tpu.memory_space<vmem>>
    %dma_start3A_522 = arith.constant 0 : i32
    %dma_start3A_523 = tpu.memref_slice %arg5[%dma_start3A, %dma_start3A_515, %dma_start3A_522] : memref<52x4x128xi32, #tpu.memory_space<vmem>> -> memref<1x1x128xi32, #tpu.memory_space<vmem>>
    %dma_start3A_524 = tpu.memref_squeeze %dma_start3A_523 : memref<1x1x128xi32, #tpu.memory_space<vmem>> -> memref<128xi32, #tpu.memory_space<vmem>>
    %dma_start3A_525 = arith.constant 0 : i32
    %dma_start3A_526 = arith.constant 0 : i32
    %dma_start3A_527 = tpu.memref_slice %arg3[%dma_start3A_525, %dma_start3A_526] : memref<4000000x32xf32, #tpu.memory_space<hbm>> -> memref<4000000x32xf32, #tpu.memory_space<hbm>>
    tpu.enqueue_indirect_dma source(%dma_start3A_527 : memref<4000000x32xf32, #tpu.memory_space<hbm>>) target(%dma_start3A_521 : memref<128x32xf32, #tpu.memory_space<vmem>>) offsets(%dma_start3A_524 : memref<128xi32, #tpu.memory_space<vmem>>) semaphore(%arg7 : memref<!tpu.dma_semaphore, #tpu.memory_space<semaphore_mem>>)
    %dma_start3A_528 = arith.constant 0 : i32
    %dma_start3A_529 = arith.constant 1 : i32
    %dma_start3A_530 = arith.constant 0 : i32
    %dma_start3A_531 = arith.constant 1 : i32
    %dma_start3A_532 = arith.constant 0 : i32
    %dma_start3A_533 = arith.constant 0 : i32
    %dma_start3A_534 = tpu.memref_slice %arg6[%dma_start3A_530, %dma_start3A_531, %dma_start3A_532, %dma_start3A_533] : memref<2x4x128x32xf32, #tpu.memory_space<vmem>> -> memref<1x1x128x32xf32, #tpu.memory_space<vmem>>
    %dma_start3A_535 = tpu.memref_squeeze %dma_start3A_534 : memref<1x1x128x32xf32, #tpu.memory_space<vmem>> -> memref<128x32xf32, #tpu.memory_space<vmem>>
    %dma_start3A_536 = arith.constant 0 : i32
    %dma_start3A_537 = tpu.memref_slice %arg5[%dma_start3A_528, %dma_start3A_529, %dma_start3A_536] : memref<52x4x128xi32, #tpu.memory_space<vmem>> -> memref<1x1x128xi32, #tpu.memory_space<vmem>>
    %dma_start3A_538 = tpu.memref_squeeze %dma_start3A_537 : memref<1x1x128xi32, #tpu.memory_space<vmem>> -> memref<128xi32, #tpu.memory_space<vmem>>
    %dma_start3A_539 = arith.constant 0 : i32
    %dma_start3A_540 = arith.constant 0 : i32
    %dma_start3A_541 = tpu.memref_slice %arg3[%dma_start3A_539, %dma_start3A_540] : memref<4000000x32xf32, #tpu.memory_space<hbm>> -> memref<4000000x32xf32, #tpu.memory_space<hbm>>
    tpu.enqueue_indirect_dma source(%dma_start3A_541 : memref<4000000x32xf32, #tpu.memory_space<hbm>>) target(%dma_start3A_535 : memref<128x32xf32, #tpu.memory_space<vmem>>) offsets(%dma_start3A_538 : memref<128xi32, #tpu.memory_space<vmem>>) semaphore(%arg7 : memref<!tpu.dma_semaphore, #tpu.memory_space<semaphore_mem>>)
    %dma_start3A_542 = arith.constant 0 : i32
    %dma_start3A_543 = arith.constant 2 : i32
    %dma_start3A_544 = arith.constant 0 : i32
    %dma_start3A_545 = arith.constant 2 : i32
    %dma_start3A_546 = arith.constant 0 : i32
    %dma_start3A_547 = arith.constant 0 : i32
    %dma_start3A_548 = tpu.memref_slice %arg6[%dma_start3A_544, %dma_start3A_545, %dma_start3A_546, %dma_start3A_547] : memref<2x4x128x32xf32, #tpu.memory_space<vmem>> -> memref<1x1x128x32xf32, #tpu.memory_space<vmem>>
    %dma_start3A_549 = tpu.memref_squeeze %dma_start3A_548 : memref<1x1x128x32xf32, #tpu.memory_space<vmem>> -> memref<128x32xf32, #tpu.memory_space<vmem>>
    %dma_start3A_550 = arith.constant 0 : i32
    %dma_start3A_551 = tpu.memref_slice %arg5[%dma_start3A_542, %dma_start3A_543, %dma_start3A_550] : memref<52x4x128xi32, #tpu.memory_space<vmem>> -> memref<1x1x128xi32, #tpu.memory_space<vmem>>
    %dma_start3A_552 = tpu.memref_squeeze %dma_start3A_551 : memref<1x1x128xi32, #tpu.memory_space<vmem>> -> memref<128xi32, #tpu.memory_space<vmem>>
    %dma_start3A_553 = arith.constant 0 : i32
    %dma_start3A_554 = arith.constant 0 : i32
    %dma_start3A_555 = tpu.memref_slice %arg3[%dma_start3A_553, %dma_start3A_554] : memref<4000000x32xf32, #tpu.memory_space<hbm>> -> memref<4000000x32xf32, #tpu.memory_space<hbm>>
    tpu.enqueue_indirect_dma source(%dma_start3A_555 : memref<4000000x32xf32, #tpu.memory_space<hbm>>) target(%dma_start3A_549 : memref<128x32xf32, #tpu.memory_space<vmem>>) offsets(%dma_start3A_552 : memref<128xi32, #tpu.memory_space<vmem>>) semaphore(%arg7 : memref<!tpu.dma_semaphore, #tpu.memory_space<semaphore_mem>>)
    %dma_start3A_556 = arith.constant 0 : i32
    %dma_start3A_557 = arith.constant 3 : i32
    %dma_start3A_558 = arith.constant 0 : i32
    %dma_start3A_559 = arith.constant 3 : i32
    %dma_start3A_560 = arith.constant 0 : i32
    %dma_start3A_561 = arith.constant 0 : i32
    %dma_start3A_562 = tpu.memref_slice %arg6[%dma_start3A_558, %dma_start3A_559, %dma_start3A_560, %dma_start3A_561] : memref<2x4x128x32xf32, #tpu.memory_space<vmem>> -> memref<1x1x128x32xf32, #tpu.memory_space<vmem>>
    %dma_start3A_563 = tpu.memref_squeeze %dma_start3A_562 : memref<1x1x128x32xf32, #tpu.memory_space<vmem>> -> memref<128x32xf32, #tpu.memory_space<vmem>>
    %dma_start3A_564 = arith.constant 0 : i32
    %dma_start3A_565 = tpu.memref_slice %arg5[%dma_start3A_556, %dma_start3A_557, %dma_start3A_564] : memref<52x4x128xi32, #tpu.memory_space<vmem>> -> memref<1x1x128xi32, #tpu.memory_space<vmem>>
    %dma_start3A_566 = tpu.memref_squeeze %dma_start3A_565 : memref<1x1x128xi32, #tpu.memory_space<vmem>> -> memref<128xi32, #tpu.memory_space<vmem>>
    %dma_start3A_567 = arith.constant 0 : i32
    %dma_start3A_568 = arith.constant 0 : i32
    %dma_start3A_569 = tpu.memref_slice %arg3[%dma_start3A_567, %dma_start3A_568] : memref<4000000x32xf32, #tpu.memory_space<hbm>> -> memref<4000000x32xf32, #tpu.memory_space<hbm>>
    tpu.enqueue_indirect_dma source(%dma_start3A_569 : memref<4000000x32xf32, #tpu.memory_space<hbm>>) target(%dma_start3A_563 : memref<128x32xf32, #tpu.memory_space<vmem>>) offsets(%dma_start3A_566 : memref<128xi32, #tpu.memory_space<vmem>>) semaphore(%arg7 : memref<!tpu.dma_semaphore, #tpu.memory_space<semaphore_mem>>)
    %dma_wait3A = arith.constant 0 : i32
    %dma_wait3A_570 = arith.constant 0 : i32
    %dma_wait3A_571 = arith.constant 0 : i32
    %dma_wait3A_572 = arith.constant 0 : i32
    %dma_wait3A_573 = arith.constant 0 : i32
    %dma_wait3A_574 = arith.constant 0 : i32
    %dma_wait3A_575 = tpu.memref_slice %arg6[%dma_wait3A_571, %dma_wait3A_572, %dma_wait3A_573, %dma_wait3A_574] : memref<2x4x128x32xf32, #tpu.memory_space<vmem>> -> memref<1x1x128x32xf32, #tpu.memory_space<vmem>>
    %dma_wait3A_576 = tpu.memref_squeeze %dma_wait3A_575 : memref<1x1x128x32xf32, #tpu.memory_space<vmem>> -> memref<128x32xf32, #tpu.memory_space<vmem>>
    %dma_wait3A_577 = arith.constant 0 : i32
    %dma_wait3A_578 = tpu.memref_slice %arg5[%dma_wait3A, %dma_wait3A_570, %dma_wait3A_577] : memref<52x4x128xi32, #tpu.memory_space<vmem>> -> memref<1x1x128xi32, #tpu.memory_space<vmem>>
    %dma_wait3A_579 = tpu.memref_squeeze %dma_wait3A_578 : memref<1x1x128xi32, #tpu.memory_space<vmem>> -> memref<128xi32, #tpu.memory_space<vmem>>
    %dma_wait3A_580 = arith.constant 0 : i32
    %dma_wait3A_581 = arith.constant 0 : i32
    %dma_wait3A_582 = tpu.memref_slice %arg3[%dma_wait3A_580, %dma_wait3A_581] : memref<4000000x32xf32, #tpu.memory_space<hbm>> -> memref<4000000x32xf32, #tpu.memory_space<hbm>>
    tpu.wait_indirect_dma semaphore(%arg7 : memref<!tpu.dma_semaphore, #tpu.memory_space<semaphore_mem>>) src(%dma_wait3A_582 : memref<4000000x32xf32, #tpu.memory_space<hbm>>) dst(%dma_wait3A_576 : memref<128x32xf32, #tpu.memory_space<vmem>>)
    %dma_wait3A_583 = arith.constant 0 : i32
    %dma_wait3A_584 = arith.constant 1 : i32
    %dma_wait3A_585 = arith.constant 0 : i32
    %dma_wait3A_586 = arith.constant 1 : i32
    %dma_wait3A_587 = arith.constant 0 : i32
    %dma_wait3A_588 = arith.constant 0 : i32
    %dma_wait3A_589 = tpu.memref_slice %arg6[%dma_wait3A_585, %dma_wait3A_586, %dma_wait3A_587, %dma_wait3A_588] : memref<2x4x128x32xf32, #tpu.memory_space<vmem>> -> memref<1x1x128x32xf32, #tpu.memory_space<vmem>>
    %dma_wait3A_590 = tpu.memref_squeeze %dma_wait3A_589 : memref<1x1x128x32xf32, #tpu.memory_space<vmem>> -> memref<128x32xf32, #tpu.memory_space<vmem>>
    %dma_wait3A_591 = arith.constant 0 : i32
    %dma_wait3A_592 = tpu.memref_slice %arg5[%dma_wait3A_583, %dma_wait3A_584, %dma_wait3A_591] : memref<52x4x128xi32, #tpu.memory_space<vmem>> -> memref<1x1x128xi32, #tpu.memory_space<vmem>>
    %dma_wait3A_593 = tpu.memref_squeeze %dma_wait3A_592 : memref<1x1x128xi32, #tpu.memory_space<vmem>> -> memref<128xi32, #tpu.memory_space<vmem>>
    %dma_wait3A_594 = arith.constant 0 : i32
    %dma_wait3A_595 = arith.constant 0 : i32
    %dma_wait3A_596 = tpu.memref_slice %arg3[%dma_wait3A_594, %dma_wait3A_595] : memref<4000000x32xf32, #tpu.memory_space<hbm>> -> memref<4000000x32xf32, #tpu.memory_space<hbm>>
    tpu.wait_indirect_dma semaphore(%arg7 : memref<!tpu.dma_semaphore, #tpu.memory_space<semaphore_mem>>) src(%dma_wait3A_596 : memref<4000000x32xf32, #tpu.memory_space<hbm>>) dst(%dma_wait3A_590 : memref<128x32xf32, #tpu.memory_space<vmem>>)
    %dma_wait3A_597 = arith.constant 0 : i32
    %dma_wait3A_598 = arith.constant 2 : i32
    %dma_wait3A_599 = arith.constant 0 : i32
    %dma_wait3A_600 = arith.constant 2 : i32
    %dma_wait3A_601 = arith.constant 0 : i32
    %dma_wait3A_602 = arith.constant 0 : i32
    %dma_wait3A_603 = tpu.memref_slice %arg6[%dma_wait3A_599, %dma_wait3A_600, %dma_wait3A_601, %dma_wait3A_602] : memref<2x4x128x32xf32, #tpu.memory_space<vmem>> -> memref<1x1x128x32xf32, #tpu.memory_space<vmem>>
    %dma_wait3A_604 = tpu.memref_squeeze %dma_wait3A_603 : memref<1x1x128x32xf32, #tpu.memory_space<vmem>> -> memref<128x32xf32, #tpu.memory_space<vmem>>
    %dma_wait3A_605 = arith.constant 0 : i32
    %dma_wait3A_606 = tpu.memref_slice %arg5[%dma_wait3A_597, %dma_wait3A_598, %dma_wait3A_605] : memref<52x4x128xi32, #tpu.memory_space<vmem>> -> memref<1x1x128xi32, #tpu.memory_space<vmem>>
    %dma_wait3A_607 = tpu.memref_squeeze %dma_wait3A_606 : memref<1x1x128xi32, #tpu.memory_space<vmem>> -> memref<128xi32, #tpu.memory_space<vmem>>
    %dma_wait3A_608 = arith.constant 0 : i32
    %dma_wait3A_609 = arith.constant 0 : i32
    %dma_wait3A_610 = tpu.memref_slice %arg3[%dma_wait3A_608, %dma_wait3A_609] : memref<4000000x32xf32, #tpu.memory_space<hbm>> -> memref<4000000x32xf32, #tpu.memory_space<hbm>>
    tpu.wait_indirect_dma semaphore(%arg7 : memref<!tpu.dma_semaphore, #tpu.memory_space<semaphore_mem>>) src(%dma_wait3A_610 : memref<4000000x32xf32, #tpu.memory_space<hbm>>) dst(%dma_wait3A_604 : memref<128x32xf32, #tpu.memory_space<vmem>>)
    %dma_wait3A_611 = arith.constant 0 : i32
    %dma_wait3A_612 = arith.constant 3 : i32
    %dma_wait3A_613 = arith.constant 0 : i32
    %dma_wait3A_614 = arith.constant 3 : i32
    %dma_wait3A_615 = arith.constant 0 : i32
    %dma_wait3A_616 = arith.constant 0 : i32
    %dma_wait3A_617 = tpu.memref_slice %arg6[%dma_wait3A_613, %dma_wait3A_614, %dma_wait3A_615, %dma_wait3A_616] : memref<2x4x128x32xf32, #tpu.memory_space<vmem>> -> memref<1x1x128x32xf32, #tpu.memory_space<vmem>>
    %dma_wait3A_618 = tpu.memref_squeeze %dma_wait3A_617 : memref<1x1x128x32xf32, #tpu.memory_space<vmem>> -> memref<128x32xf32, #tpu.memory_space<vmem>>
    %dma_wait3A_619 = arith.constant 0 : i32
    %dma_wait3A_620 = tpu.memref_slice %arg5[%dma_wait3A_611, %dma_wait3A_612, %dma_wait3A_619] : memref<52x4x128xi32, #tpu.memory_space<vmem>> -> memref<1x1x128xi32, #tpu.memory_space<vmem>>
    %dma_wait3A_621 = tpu.memref_squeeze %dma_wait3A_620 : memref<1x1x128xi32, #tpu.memory_space<vmem>> -> memref<128xi32, #tpu.memory_space<vmem>>
    %dma_wait3A_622 = arith.constant 0 : i32
    %dma_wait3A_623 = arith.constant 0 : i32
    %dma_wait3A_624 = tpu.memref_slice %arg3[%dma_wait3A_622, %dma_wait3A_623] : memref<4000000x32xf32, #tpu.memory_space<hbm>> -> memref<4000000x32xf32, #tpu.memory_space<hbm>>
    tpu.wait_indirect_dma semaphore(%arg7 : memref<!tpu.dma_semaphore, #tpu.memory_space<semaphore_mem>>) src(%dma_wait3A_624 : memref<4000000x32xf32, #tpu.memory_space<hbm>>) dst(%dma_wait3A_618 : memref<128x32xf32, #tpu.memory_space<vmem>>)
    %dma_start3A_625 = arith.constant 1 : i32
    %dma_start3A_626 = arith.constant 0 : i32
    %dma_start3A_627 = arith.constant 1 : i32
    %dma_start3A_628 = arith.constant 0 : i32
    %dma_start3A_629 = arith.constant 0 : i32
    %dma_start3A_630 = arith.constant 0 : i32
    %dma_start3A_631 = tpu.memref_slice %arg6[%dma_start3A_627, %dma_start3A_628, %dma_start3A_629, %dma_start3A_630] : memref<2x4x128x32xf32, #tpu.memory_space<vmem>> -> memref<1x1x128x32xf32, #tpu.memory_space<vmem>>
    %dma_start3A_632 = tpu.memref_squeeze %dma_start3A_631 : memref<1x1x128x32xf32, #tpu.memory_space<vmem>> -> memref<128x32xf32, #tpu.memory_space<vmem>>
    %dma_start3A_633 = arith.constant 0 : i32
    %dma_start3A_634 = tpu.memref_slice %arg5[%dma_start3A_625, %dma_start3A_626, %dma_start3A_633] : memref<52x4x128xi32, #tpu.memory_space<vmem>> -> memref<1x1x128xi32, #tpu.memory_space<vmem>>
    %dma_start3A_635 = tpu.memref_squeeze %dma_start3A_634 : memref<1x1x128xi32, #tpu.memory_space<vmem>> -> memref<128xi32, #tpu.memory_space<vmem>>
    %dma_start3A_636 = arith.constant 0 : i32
    %dma_start3A_637 = arith.constant 0 : i32
    %dma_start3A_638 = tpu.memref_slice %arg3[%dma_start3A_636, %dma_start3A_637] : memref<4000000x32xf32, #tpu.memory_space<hbm>> -> memref<4000000x32xf32, #tpu.memory_space<hbm>>
    tpu.enqueue_indirect_dma source(%dma_start3A_638 : memref<4000000x32xf32, #tpu.memory_space<hbm>>) target(%dma_start3A_632 : memref<128x32xf32, #tpu.memory_space<vmem>>) offsets(%dma_start3A_635 : memref<128xi32, #tpu.memory_space<vmem>>) semaphore(%arg7 : memref<!tpu.dma_semaphore, #tpu.memory_space<semaphore_mem>>)
    %dma_start3A_639 = arith.constant 1 : i32
    %dma_start3A_640 = arith.constant 1 : i32
    %dma_start3A_641 = arith.constant 1 : i32
    %dma_start3A_642 = arith.constant 1 : i32
    %dma_start3A_643 = arith.constant 0 : i32
    %dma_start3A_644 = arith.constant 0 : i32
    %dma_start3A_645 = tpu.memref_slice %arg6[%dma_start3A_641, %dma_start3A_642, %dma_start3A_643, %dma_start3A_644] : memref<2x4x128x32xf32, #tpu.memory_space<vmem>> -> memref<1x1x128x32xf32, #tpu.memory_space<vmem>>
    %dma_start3A_646 = tpu.memref_squeeze %dma_start3A_645 : memref<1x1x128x32xf32, #tpu.memory_space<vmem>> -> memref<128x32xf32, #tpu.memory_space<vmem>>
    %dma_start3A_647 = arith.constant 0 : i32
    %dma_start3A_648 = tpu.memref_slice %arg5[%dma_start3A_639, %dma_start3A_640, %dma_start3A_647] : memref<52x4x128xi32, #tpu.memory_space<vmem>> -> memref<1x1x128xi32, #tpu.memory_space<vmem>>
    %dma_start3A_649 = tpu.memref_squeeze %dma_start3A_648 : memref<1x1x128xi32, #tpu.memory_space<vmem>> -> memref<128xi32, #tpu.memory_space<vmem>>
    %dma_start3A_650 = arith.constant 0 : i32
    %dma_start3A_651 = arith.constant 0 : i32
    %dma_start3A_652 = tpu.memref_slice %arg3[%dma_start3A_650, %dma_start3A_651] : memref<4000000x32xf32, #tpu.memory_space<hbm>> -> memref<4000000x32xf32, #tpu.memory_space<hbm>>
    tpu.enqueue_indirect_dma source(%dma_start3A_652 : memref<4000000x32xf32, #tpu.memory_space<hbm>>) target(%dma_start3A_646 : memref<128x32xf32, #tpu.memory_space<vmem>>) offsets(%dma_start3A_649 : memref<128xi32, #tpu.memory_space<vmem>>) semaphore(%arg7 : memref<!tpu.dma_semaphore, #tpu.memory_space<semaphore_mem>>)
    %dma_start3A_653 = arith.constant 1 : i32
    %dma_start3A_654 = arith.constant 2 : i32
    %dma_start3A_655 = arith.constant 1 : i32
    %dma_start3A_656 = arith.constant 2 : i32
    %dma_start3A_657 = arith.constant 0 : i32
    %dma_start3A_658 = arith.constant 0 : i32
    %dma_start3A_659 = tpu.memref_slice %arg6[%dma_start3A_655, %dma_start3A_656, %dma_start3A_657, %dma_start3A_658] : memref<2x4x128x32xf32, #tpu.memory_space<vmem>> -> memref<1x1x128x32xf32, #tpu.memory_space<vmem>>
    %dma_start3A_660 = tpu.memref_squeeze %dma_start3A_659 : memref<1x1x128x32xf32, #tpu.memory_space<vmem>> -> memref<128x32xf32, #tpu.memory_space<vmem>>
    %dma_start3A_661 = arith.constant 0 : i32
    %dma_start3A_662 = tpu.memref_slice %arg5[%dma_start3A_653, %dma_start3A_654, %dma_start3A_661] : memref<52x4x128xi32, #tpu.memory_space<vmem>> -> memref<1x1x128xi32, #tpu.memory_space<vmem>>
    %dma_start3A_663 = tpu.memref_squeeze %dma_start3A_662 : memref<1x1x128xi32, #tpu.memory_space<vmem>> -> memref<128xi32, #tpu.memory_space<vmem>>
    %dma_start3A_664 = arith.constant 0 : i32
    %dma_start3A_665 = arith.constant 0 : i32
    %dma_start3A_666 = tpu.memref_slice %arg3[%dma_start3A_664, %dma_start3A_665] : memref<4000000x32xf32, #tpu.memory_space<hbm>> -> memref<4000000x32xf32, #tpu.memory_space<hbm>>
    tpu.enqueue_indirect_dma source(%dma_start3A_666 : memref<4000000x32xf32, #tpu.memory_space<hbm>>) target(%dma_start3A_660 : memref<128x32xf32, #tpu.memory_space<vmem>>) offsets(%dma_start3A_663 : memref<128xi32, #tpu.memory_space<vmem>>) semaphore(%arg7 : memref<!tpu.dma_semaphore, #tpu.memory_space<semaphore_mem>>)
    %dma_start3A_667 = arith.constant 1 : i32
    %dma_start3A_668 = arith.constant 3 : i32
    %dma_start3A_669 = arith.constant 1 : i32
    %dma_start3A_670 = arith.constant 3 : i32
    %dma_start3A_671 = arith.constant 0 : i32
    %dma_start3A_672 = arith.constant 0 : i32
    %dma_start3A_673 = tpu.memref_slice %arg6[%dma_start3A_669, %dma_start3A_670, %dma_start3A_671, %dma_start3A_672] : memref<2x4x128x32xf32, #tpu.memory_space<vmem>> -> memref<1x1x128x32xf32, #tpu.memory_space<vmem>>
    %dma_start3A_674 = tpu.memref_squeeze %dma_start3A_673 : memref<1x1x128x32xf32, #tpu.memory_space<vmem>> -> memref<128x32xf32, #tpu.memory_space<vmem>>
    %dma_start3A_675 = arith.constant 0 : i32
    %dma_start3A_676 = tpu.memref_slice %arg5[%dma_start3A_667, %dma_start3A_668, %dma_start3A_675] : memref<52x4x128xi32, #tpu.memory_space<vmem>> -> memref<1x1x128xi32, #tpu.memory_space<vmem>>
    %dma_start3A_677 = tpu.memref_squeeze %dma_start3A_676 : memref<1x1x128xi32, #tpu.memory_space<vmem>> -> memref<128xi32, #tpu.memory_space<vmem>>
    %dma_start3A_678 = arith.constant 0 : i32
    %dma_start3A_679 = arith.constant 0 : i32
    %dma_start3A_680 = tpu.memref_slice %arg3[%dma_start3A_678, %dma_start3A_679] : memref<4000000x32xf32, #tpu.memory_space<hbm>> -> memref<4000000x32xf32, #tpu.memory_space<hbm>>
    tpu.enqueue_indirect_dma source(%dma_start3A_680 : memref<4000000x32xf32, #tpu.memory_space<hbm>>) target(%dma_start3A_674 : memref<128x32xf32, #tpu.memory_space<vmem>>) offsets(%dma_start3A_677 : memref<128xi32, #tpu.memory_space<vmem>>) semaphore(%arg7 : memref<!tpu.dma_semaphore, #tpu.memory_space<semaphore_mem>>)
    %dma_start3A_681 = arith.constant 0 : i32
    %dma_start3A_682 = arith.constant 0 : i32
    %dma_start3A_683 = arith.constant 0 : i32
    %dma_start3A_684 = arith.constant 0 : i32
    %dma_start3A_685 = arith.constant 0 : i32
    %dma_start3A_686 = tpu.memref_slice %arg6[%dma_start3A_681, %dma_start3A_683, %dma_start3A_684, %dma_start3A_685] : memref<2x4x128x32xf32, #tpu.memory_space<vmem>> -> memref<1x4x128x32xf32, #tpu.memory_space<vmem>>
    %dma_start3A_687 = tpu.memref_squeeze %dma_start3A_686 : memref<1x4x128x32xf32, #tpu.memory_space<vmem>> -> memref<4x128x32xf32, #tpu.memory_space<vmem>>
    %dma_start3A_688 = arith.constant 0 : i32
    %dma_start3A_689 = arith.constant 0 : i32
    %dma_start3A_690 = tpu.memref_slice %arg4[%dma_start3A_682, %mul3A_2, %dma_start3A_688, %dma_start3A_689] : memref<50x128x128x32xf32, #tpu.memory_space<hbm>> -> memref<1x4x128x32xf32, #tpu.memory_space<hbm>>
    %dma_start3A_691 = tpu.memref_squeeze %dma_start3A_690 : memref<1x4x128x32xf32, #tpu.memory_space<hbm>> -> memref<4x128x32xf32, #tpu.memory_space<hbm>>
    %dma_start3A_692 = arith.constant 0 : i32
    %dma_start3A_693 = arith.constant 0 : i32
    %dma_start3A_694 = tpu.memref_slice %arg4[%dma_start3A_682, %mul3A_2, %dma_start3A_692, %dma_start3A_693] : memref<50x128x128x32xf32, #tpu.memory_space<hbm>> -> memref<1x4x128x32xf32, #tpu.memory_space<hbm>>
    %dma_start3A_695 = tpu.memref_squeeze %dma_start3A_694 : memref<1x4x128x32xf32, #tpu.memory_space<hbm>> -> memref<4x128x32xf32, #tpu.memory_space<hbm>>
    %dma_start3A_696 = arith.constant 0 : i32
    %dma_start3A_697 = arith.constant 0 : i32
    %dma_start3A_698 = arith.constant 0 : i32
    %dma_start3A_699 = tpu.memref_slice %arg6[%dma_start3A_681, %dma_start3A_696, %dma_start3A_697, %dma_start3A_698] : memref<2x4x128x32xf32, #tpu.memory_space<vmem>> -> memref<1x4x128x32xf32, #tpu.memory_space<vmem>>
    %dma_start3A_700 = tpu.memref_squeeze %dma_start3A_699 : memref<1x4x128x32xf32, #tpu.memory_space<vmem>> -> memref<4x128x32xf32, #tpu.memory_space<vmem>>
    tpu.enqueue_dma source(%dma_start3A_700 : memref<4x128x32xf32, #tpu.memory_space<vmem>>) target(%dma_start3A_695 : memref<4x128x32xf32, #tpu.memory_space<hbm>>) target_semaphore(%arg8 : memref<!tpu.dma_semaphore, #tpu.memory_space<semaphore_mem>>)
    %dma_wait3A_701 = arith.constant 0 : i32
    %dma_wait3A_702 = arith.constant 0 : i32
    %dma_wait3A_703 = arith.constant 1 : i32
    %dma_wait3A_704 = arith.constant 0 : i32
    %dma_wait3A_705 = arith.constant 0 : i32
    %dma_wait3A_706 = arith.constant 0 : i32
    %dma_wait3A_707 = tpu.memref_slice %arg6[%dma_wait3A_703, %dma_wait3A_704, %dma_wait3A_705, %dma_wait3A_706] : memref<2x4x128x32xf32, #tpu.memory_space<vmem>> -> memref<1x1x128x32xf32, #tpu.memory_space<vmem>>
    %dma_wait3A_708 = tpu.memref_squeeze %dma_wait3A_707 : memref<1x1x128x32xf32, #tpu.memory_space<vmem>> -> memref<128x32xf32, #tpu.memory_space<vmem>>
    %dma_wait3A_709 = arith.constant 0 : i32
    %dma_wait3A_710 = tpu.memref_slice %arg5[%dma_wait3A_701, %dma_wait3A_702, %dma_wait3A_709] : memref<52x4x128xi32, #tpu.memory_space<vmem>> -> memref<1x1x128xi32, #tpu.memory_space<vmem>>
    %dma_wait3A_711 = tpu.memref_squeeze %dma_wait3A_710 : memref<1x1x128xi32, #tpu.memory_space<vmem>> -> memref<128xi32, #tpu.memory_space<vmem>>
    %dma_wait3A_712 = arith.constant 0 : i32
    %dma_wait3A_713 = arith.constant 0 : i32
    %dma_wait3A_714 = tpu.memref_slice %arg3[%dma_wait3A_712, %dma_wait3A_713] : memref<4000000x32xf32, #tpu.memory_space<hbm>> -> memref<4000000x32xf32, #tpu.memory_space<hbm>>
    tpu.wait_indirect_dma semaphore(%arg7 : memref<!tpu.dma_semaphore, #tpu.memory_space<semaphore_mem>>) src(%dma_wait3A_714 : memref<4000000x32xf32, #tpu.memory_space<hbm>>) dst(%dma_wait3A_708 : memref<128x32xf32, #tpu.memory_space<vmem>>)
    %dma_wait3A_715 = arith.constant 0 : i32
    %dma_wait3A_716 = arith.constant 1 : i32
    %dma_wait3A_717 = arith.constant 1 : i32
    %dma_wait3A_718 = arith.constant 1 : i32
    %dma_wait3A_719 = arith.constant 0 : i32
    %dma_wait3A_720 = arith.constant 0 : i32
    %dma_wait3A_721 = tpu.memref_slice %arg6[%dma_wait3A_717, %dma_wait3A_718, %dma_wait3A_719, %dma_wait3A_720] : memref<2x4x128x32xf32, #tpu.memory_space<vmem>> -> memref<1x1x128x32xf32, #tpu.memory_space<vmem>>
    %dma_wait3A_722 = tpu.memref_squeeze %dma_wait3A_721 : memref<1x1x128x32xf32, #tpu.memory_space<vmem>> -> memref<128x32xf32, #tpu.memory_space<vmem>>
    %dma_wait3A_723 = arith.constant 0 : i32
    %dma_wait3A_724 = tpu.memref_slice %arg5[%dma_wait3A_715, %dma_wait3A_716, %dma_wait3A_723] : memref<52x4x128xi32, #tpu.memory_space<vmem>> -> memref<1x1x128xi32, #tpu.memory_space<vmem>>
    %dma_wait3A_725 = tpu.memref_squeeze %dma_wait3A_724 : memref<1x1x128xi32, #tpu.memory_space<vmem>> -> memref<128xi32, #tpu.memory_space<vmem>>
    %dma_wait3A_726 = arith.constant 0 : i32
    %dma_wait3A_727 = arith.constant 0 : i32
    %dma_wait3A_728 = tpu.memref_slice %arg3[%dma_wait3A_726, %dma_wait3A_727] : memref<4000000x32xf32, #tpu.memory_space<hbm>> -> memref<4000000x32xf32, #tpu.memory_space<hbm>>
    tpu.wait_indirect_dma semaphore(%arg7 : memref<!tpu.dma_semaphore, #tpu.memory_space<semaphore_mem>>) src(%dma_wait3A_728 : memref<4000000x32xf32, #tpu.memory_space<hbm>>) dst(%dma_wait3A_722 : memref<128x32xf32, #tpu.memory_space<vmem>>)
    %dma_wait3A_729 = arith.constant 0 : i32
    %dma_wait3A_730 = arith.constant 2 : i32
    %dma_wait3A_731 = arith.constant 1 : i32
    %dma_wait3A_732 = arith.constant 2 : i32
    %dma_wait3A_733 = arith.constant 0 : i32
    %dma_wait3A_734 = arith.constant 0 : i32
    %dma_wait3A_735 = tpu.memref_slice %arg6[%dma_wait3A_731, %dma_wait3A_732, %dma_wait3A_733, %dma_wait3A_734] : memref<2x4x128x32xf32, #tpu.memory_space<vmem>> -> memref<1x1x128x32xf32, #tpu.memory_space<vmem>>
    %dma_wait3A_736 = tpu.memref_squeeze %dma_wait3A_735 : memref<1x1x128x32xf32, #tpu.memory_space<vmem>> -> memref<128x32xf32, #tpu.memory_space<vmem>>
    %dma_wait3A_737 = arith.constant 0 : i32
    %dma_wait3A_738 = tpu.memref_slice %arg5[%dma_wait3A_729, %dma_wait3A_730, %dma_wait3A_737] : memref<52x4x128xi32, #tpu.memory_space<vmem>> -> memref<1x1x128xi32, #tpu.memory_space<vmem>>
    %dma_wait3A_739 = tpu.memref_squeeze %dma_wait3A_738 : memref<1x1x128xi32, #tpu.memory_space<vmem>> -> memref<128xi32, #tpu.memory_space<vmem>>
    %dma_wait3A_740 = arith.constant 0 : i32
    %dma_wait3A_741 = arith.constant 0 : i32
    %dma_wait3A_742 = tpu.memref_slice %arg3[%dma_wait3A_740, %dma_wait3A_741] : memref<4000000x32xf32, #tpu.memory_space<hbm>> -> memref<4000000x32xf32, #tpu.memory_space<hbm>>
    tpu.wait_indirect_dma semaphore(%arg7 : memref<!tpu.dma_semaphore, #tpu.memory_space<semaphore_mem>>) src(%dma_wait3A_742 : memref<4000000x32xf32, #tpu.memory_space<hbm>>) dst(%dma_wait3A_736 : memref<128x32xf32, #tpu.memory_space<vmem>>)
    %dma_wait3A_743 = arith.constant 0 : i32
    %dma_wait3A_744 = arith.constant 3 : i32
    %dma_wait3A_745 = arith.constant 1 : i32
    %dma_wait3A_746 = arith.constant 3 : i32
    %dma_wait3A_747 = arith.constant 0 : i32
    %dma_wait3A_748 = arith.constant 0 : i32
    %dma_wait3A_749 = tpu.memref_slice %arg6[%dma_wait3A_745, %dma_wait3A_746, %dma_wait3A_747, %dma_wait3A_748] : memref<2x4x128x32xf32, #tpu.memory_space<vmem>> -> memref<1x1x128x32xf32, #tpu.memory_space<vmem>>
    %dma_wait3A_750 = tpu.memref_squeeze %dma_wait3A_749 : memref<1x1x128x32xf32, #tpu.memory_space<vmem>> -> memref<128x32xf32, #tpu.memory_space<vmem>>
    %dma_wait3A_751 = arith.constant 0 : i32
    %dma_wait3A_752 = tpu.memref_slice %arg5[%dma_wait3A_743, %dma_wait3A_744, %dma_wait3A_751] : memref<52x4x128xi32, #tpu.memory_space<vmem>> -> memref<1x1x128xi32, #tpu.memory_space<vmem>>
    %dma_wait3A_753 = tpu.memref_squeeze %dma_wait3A_752 : memref<1x1x128xi32, #tpu.memory_space<vmem>> -> memref<128xi32, #tpu.memory_space<vmem>>
    %dma_wait3A_754 = arith.constant 0 : i32
    %dma_wait3A_755 = arith.constant 0 : i32
    %dma_wait3A_756 = tpu.memref_slice %arg3[%dma_wait3A_754, %dma_wait3A_755] : memref<4000000x32xf32, #tpu.memory_space<hbm>> -> memref<4000000x32xf32, #tpu.memory_space<hbm>>
    tpu.wait_indirect_dma semaphore(%arg7 : memref<!tpu.dma_semaphore, #tpu.memory_space<semaphore_mem>>) src(%dma_wait3A_756 : memref<4000000x32xf32, #tpu.memory_space<hbm>>) dst(%dma_wait3A_750 : memref<128x32xf32, #tpu.memory_space<vmem>>)
    %dma_wait3A_757 = arith.constant 0 : i32
    %dma_wait3A_758 = arith.constant 0 : i32
    %dma_wait3A_759 = arith.constant 0 : i32
    %dma_wait3A_760 = arith.constant 0 : i32
    %dma_wait3A_761 = arith.constant 0 : i32
    %dma_wait3A_762 = tpu.memref_slice %arg6[%dma_wait3A_757, %dma_wait3A_759, %dma_wait3A_760, %dma_wait3A_761] : memref<2x4x128x32xf32, #tpu.memory_space<vmem>> -> memref<1x4x128x32xf32, #tpu.memory_space<vmem>>
    %dma_wait3A_763 = tpu.memref_squeeze %dma_wait3A_762 : memref<1x4x128x32xf32, #tpu.memory_space<vmem>> -> memref<4x128x32xf32, #tpu.memory_space<vmem>>
    %dma_wait3A_764 = arith.constant 0 : i32
    %dma_wait3A_765 = arith.constant 0 : i32
    %dma_wait3A_766 = tpu.memref_slice %arg4[%dma_wait3A_758, %mul3A_2, %dma_wait3A_764, %dma_wait3A_765] : memref<50x128x128x32xf32, #tpu.memory_space<hbm>> -> memref<1x4x128x32xf32, #tpu.memory_space<hbm>>
    %dma_wait3A_767 = tpu.memref_squeeze %dma_wait3A_766 : memref<1x4x128x32xf32, #tpu.memory_space<hbm>> -> memref<4x128x32xf32, #tpu.memory_space<hbm>>
    %dma_wait3A_768 = arith.constant 0 : i32
    %dma_wait3A_769 = arith.constant 0 : i32
    %dma_wait3A_770 = tpu.memref_slice %arg4[%dma_wait3A_758, %mul3A_2, %dma_wait3A_768, %dma_wait3A_769] : memref<50x128x128x32xf32, #tpu.memory_space<hbm>> -> memref<1x4x128x32xf32, #tpu.memory_space<hbm>>
    %dma_wait3A_771 = tpu.memref_squeeze %dma_wait3A_770 : memref<1x4x128x32xf32, #tpu.memory_space<hbm>> -> memref<4x128x32xf32, #tpu.memory_space<hbm>>
    %dma_wait3A_772 = arith.constant 0 : i32
    %dma_wait3A_773 = arith.constant 0 : i32
    %dma_wait3A_774 = arith.constant 0 : i32
    %dma_wait3A_775 = tpu.memref_slice %arg6[%dma_wait3A_757, %dma_wait3A_772, %dma_wait3A_773, %dma_wait3A_774] : memref<2x4x128x32xf32, #tpu.memory_space<vmem>> -> memref<1x4x128x32xf32, #tpu.memory_space<vmem>>
    %dma_wait3A_776 = tpu.memref_squeeze %dma_wait3A_775 : memref<1x4x128x32xf32, #tpu.memory_space<vmem>> -> memref<4x128x32xf32, #tpu.memory_space<vmem>>
    tpu.wait_dma2 semaphore(%arg8 : memref<!tpu.dma_semaphore, #tpu.memory_space<semaphore_mem>>) src(%dma_wait3A_776 : memref<4x128x32xf32, #tpu.memory_space<vmem>>) dst(%dma_wait3A_771 : memref<4x128x32xf32, #tpu.memory_space<hbm>>)
    %dma_start3A_777 = arith.constant 2 : i32
    %dma_start3A_778 = arith.constant 0 : i32
    %dma_start3A_779 = arith.constant 0 : i32
    %dma_start3A_780 = arith.constant 0 : i32
    %dma_start3A_781 = arith.constant 0 : i32
    %dma_start3A_782 = arith.constant 0 : i32
    %dma_start3A_783 = tpu.memref_slice %arg6[%dma_start3A_779, %dma_start3A_780, %dma_start3A_781, %dma_start3A_782] : memref<2x4x128x32xf32, #tpu.memory_space<vmem>> -> memref<1x1x128x32xf32, #tpu.memory_space<vmem>>
    %dma_start3A_784 = tpu.memref_squeeze %dma_start3A_783 : memref<1x1x128x32xf32, #tpu.memory_space<vmem>> -> memref<128x32xf32, #tpu.memory_space<vmem>>
    %dma_start3A_785 = arith.constant 0 : i32
    %dma_start3A_786 = tpu.memref_slice %arg5[%dma_start3A_777, %dma_start3A_778, %dma_start3A_785] : memref<52x4x128xi32, #tpu.memory_space<vmem>> -> memref<1x1x128xi32, #tpu.memory_space<vmem>>
    %dma_start3A_787 = tpu.memref_squeeze %dma_start3A_786 : memref<1x1x128xi32, #tpu.memory_space<vmem>> -> memref<128xi32, #tpu.memory_space<vmem>>
    %dma_start3A_788 = arith.constant 0 : i32
    %dma_start3A_789 = arith.constant 0 : i32
    %dma_start3A_790 = tpu.memref_slice %arg3[%dma_start3A_788, %dma_start3A_789] : memref<4000000x32xf32, #tpu.memory_space<hbm>> -> memref<4000000x32xf32, #tpu.memory_space<hbm>>
    tpu.enqueue_indirect_dma source(%dma_start3A_790 : memref<4000000x32xf32, #tpu.memory_space<hbm>>) target(%dma_start3A_784 : memref<128x32xf32, #tpu.memory_space<vmem>>) offsets(%dma_start3A_787 : memref<128xi32, #tpu.memory_space<vmem>>) semaphore(%arg7 : memref<!tpu.dma_semaphore, #tpu.memory_space<semaphore_mem>>)
    %dma_start3A_791 = arith.constant 2 : i32
    %dma_start3A_792 = arith.constant 1 : i32
    %dma_start3A_793 = arith.constant 0 : i32
    %dma_start3A_794 = arith.constant 1 : i32
    %dma_start3A_795 = arith.constant 0 : i32
    %dma_start3A_796 = arith.constant 0 : i32
    %dma_start3A_797 = tpu.memref_slice %arg6[%dma_start3A_793, %dma_start3A_794, %dma_start3A_795, %dma_start3A_796] : memref<2x4x128x32xf32, #tpu.memory_space<vmem>> -> memref<1x1x128x32xf32, #tpu.memory_space<vmem>>
    %dma_start3A_798 = tpu.memref_squeeze %dma_start3A_797 : memref<1x1x128x32xf32, #tpu.memory_space<vmem>> -> memref<128x32xf32, #tpu.memory_space<vmem>>
    %dma_start3A_799 = arith.constant 0 : i32
    %dma_start3A_800 = tpu.memref_slice %arg5[%dma_start3A_791, %dma_start3A_792, %dma_start3A_799] : memref<52x4x128xi32, #tpu.memory_space<vmem>> -> memref<1x1x128xi32, #tpu.memory_space<vmem>>
    %dma_start3A_801 = tpu.memref_squeeze %dma_start3A_800 : memref<1x1x128xi32, #tpu.memory_space<vmem>> -> memref<128xi32, #tpu.memory_space<vmem>>
    %dma_start3A_802 = arith.constant 0 : i32
    %dma_start3A_803 = arith.constant 0 : i32
    %dma_start3A_804 = tpu.memref_slice %arg3[%dma_start3A_802, %dma_start3A_803] : memref<4000000x32xf32, #tpu.memory_space<hbm>> -> memref<4000000x32xf32, #tpu.memory_space<hbm>>
    tpu.enqueue_indirect_dma source(%dma_start3A_804 : memref<4000000x32xf32, #tpu.memory_space<hbm>>) target(%dma_start3A_798 : memref<128x32xf32, #tpu.memory_space<vmem>>) offsets(%dma_start3A_801 : memref<128xi32, #tpu.memory_space<vmem>>) semaphore(%arg7 : memref<!tpu.dma_semaphore, #tpu.memory_space<semaphore_mem>>)
    %dma_start3A_805 = arith.constant 2 : i32
    %dma_start3A_806 = arith.constant 2 : i32
    %dma_start3A_807 = arith.constant 0 : i32
    %dma_start3A_808 = arith.constant 2 : i32
    %dma_start3A_809 = arith.constant 0 : i32
    %dma_start3A_810 = arith.constant 0 : i32
    %dma_start3A_811 = tpu.memref_slice %arg6[%dma_start3A_807, %dma_start3A_808, %dma_start3A_809, %dma_start3A_810] : memref<2x4x128x32xf32, #tpu.memory_space<vmem>> -> memref<1x1x128x32xf32, #tpu.memory_space<vmem>>
    %dma_start3A_812 = tpu.memref_squeeze %dma_start3A_811 : memref<1x1x128x32xf32, #tpu.memory_space<vmem>> -> memref<128x32xf32, #tpu.memory_space<vmem>>
    %dma_start3A_813 = arith.constant 0 : i32
    %dma_start3A_814 = tpu.memref_slice %arg5[%dma_start3A_805, %dma_start3A_806, %dma_start3A_813] : memref<52x4x128xi32, #tpu.memory_space<vmem>> -> memref<1x1x128xi32, #tpu.memory_space<vmem>>
    %dma_start3A_815 = tpu.memref_squeeze %dma_start3A_814 : memref<1x1x128xi32, #tpu.memory_space<vmem>> -> memref<128xi32, #tpu.memory_space<vmem>>
    %dma_start3A_816 = arith.constant 0 : i32
    %dma_start3A_817 = arith.constant 0 : i32
    %dma_start3A_818 = tpu.memref_slice %arg3[%dma_start3A_816, %dma_start3A_817] : memref<4000000x32xf32, #tpu.memory_space<hbm>> -> memref<4000000x32xf32, #tpu.memory_space<hbm>>
    tpu.enqueue_indirect_dma source(%dma_start3A_818 : memref<4000000x32xf32, #tpu.memory_space<hbm>>) target(%dma_start3A_812 : memref<128x32xf32, #tpu.memory_space<vmem>>) offsets(%dma_start3A_815 : memref<128xi32, #tpu.memory_space<vmem>>) semaphore(%arg7 : memref<!tpu.dma_semaphore, #tpu.memory_space<semaphore_mem>>)
    %dma_start3A_819 = arith.constant 2 : i32
    %dma_start3A_820 = arith.constant 3 : i32
    %dma_start3A_821 = arith.constant 0 : i32
    %dma_start3A_822 = arith.constant 3 : i32
    %dma_start3A_823 = arith.constant 0 : i32
    %dma_start3A_824 = arith.constant 0 : i32
    %dma_start3A_825 = tpu.memref_slice %arg6[%dma_start3A_821, %dma_start3A_822, %dma_start3A_823, %dma_start3A_824] : memref<2x4x128x32xf32, #tpu.memory_space<vmem>> -> memref<1x1x128x32xf32, #tpu.memory_space<vmem>>
    %dma_start3A_826 = tpu.memref_squeeze %dma_start3A_825 : memref<1x1x128x32xf32, #tpu.memory_space<vmem>> -> memref<128x32xf32, #tpu.memory_space<vmem>>
    %dma_start3A_827 = arith.constant 0 : i32
    %dma_start3A_828 = tpu.memref_slice %arg5[%dma_start3A_819, %dma_start3A_820, %dma_start3A_827] : memref<52x4x128xi32, #tpu.memory_space<vmem>> -> memref<1x1x128xi32, #tpu.memory_space<vmem>>
    %dma_start3A_829 = tpu.memref_squeeze %dma_start3A_828 : memref<1x1x128xi32, #tpu.memory_space<vmem>> -> memref<128xi32, #tpu.memory_space<vmem>>
    %dma_start3A_830 = arith.constant 0 : i32
    %dma_start3A_831 = arith.constant 0 : i32
    %dma_start3A_832 = tpu.memref_slice %arg3[%dma_start3A_830, %dma_start3A_831] : memref<4000000x32xf32, #tpu.memory_space<hbm>> -> memref<4000000x32xf32, #tpu.memory_space<hbm>>
    tpu.enqueue_indirect_dma source(%dma_start3A_832 : memref<4000000x32xf32, #tpu.memory_space<hbm>>) target(%dma_start3A_826 : memref<128x32xf32, #tpu.memory_space<vmem>>) offsets(%dma_start3A_829 : memref<128xi32, #tpu.memory_space<vmem>>) semaphore(%arg7 : memref<!tpu.dma_semaphore, #tpu.memory_space<semaphore_mem>>)
    %dma_start3A_833 = arith.constant 1 : i32
    %dma_start3A_834 = arith.constant 1 : i32
    %dma_start3A_835 = arith.constant 0 : i32
    %dma_start3A_836 = arith.constant 0 : i32
    %dma_start3A_837 = arith.constant 0 : i32
    %dma_start3A_838 = tpu.memref_slice %arg6[%dma_start3A_833, %dma_start3A_835, %dma_start3A_836, %dma_start3A_837] : memref<2x4x128x32xf32, #tpu.memory_space<vmem>> -> memref<1x4x128x32xf32, #tpu.memory_space<vmem>>
    %dma_start3A_839 = tpu.memref_squeeze %dma_start3A_838 : memref<1x4x128x32xf32, #tpu.memory_space<vmem>> -> memref<4x128x32xf32, #tpu.memory_space<vmem>>
    %dma_start3A_840 = arith.constant 0 : i32
    %dma_start3A_841 = arith.constant 0 : i32
    %dma_start3A_842 = tpu.memref_slice %arg4[%dma_start3A_834, %mul3A_2, %dma_start3A_840, %dma_start3A_841] : memref<50x128x128x32xf32, #tpu.memory_space<hbm>> -> memref<1x4x128x32xf32, #tpu.memory_space<hbm>>
    %dma_start3A_843 = tpu.memref_squeeze %dma_start3A_842 : memref<1x4x128x32xf32, #tpu.memory_space<hbm>> -> memref<4x128x32xf32, #tpu.memory_space<hbm>>
    %dma_start3A_844 = arith.constant 0 : i32
    %dma_start3A_845 = arith.constant 0 : i32
    %dma_start3A_846 = tpu.memref_slice %arg4[%dma_start3A_834, %mul3A_2, %dma_start3A_844, %dma_start3A_845] : memref<50x128x128x32xf32, #tpu.memory_space<hbm>> -> memref<1x4x128x32xf32, #tpu.memory_space<hbm>>
    %dma_start3A_847 = tpu.memref_squeeze %dma_start3A_846 : memref<1x4x128x32xf32, #tpu.memory_space<hbm>> -> memref<4x128x32xf32, #tpu.memory_space<hbm>>
    %dma_start3A_848 = arith.constant 0 : i32
    %dma_start3A_849 = arith.constant 0 : i32
    %dma_start3A_850 = arith.constant 0 : i32
    %dma_start3A_851 = tpu.memref_slice %arg6[%dma_start3A_833, %dma_start3A_848, %dma_start3A_849, %dma_start3A_850] : memref<2x4x128x32xf32, #tpu.memory_space<vmem>> -> memref<1x4x128x32xf32, #tpu.memory_space<vmem>>
    %dma_start3A_852 = tpu.memref_squeeze %dma_start3A_851 : memref<1x4x128x32xf32, #tpu.memory_space<vmem>> -> memref<4x128x32xf32, #tpu.memory_space<vmem>>
    tpu.enqueue_dma source(%dma_start3A_852 : memref<4x128x32xf32, #tpu.memory_space<vmem>>) target(%dma_start3A_847 : memref<4x128x32xf32, #tpu.memory_space<hbm>>) target_semaphore(%arg9 : memref<!tpu.dma_semaphore, #tpu.memory_space<semaphore_mem>>)
    %scan3A = arith.constant 0 : i32
    %scan3A_853 = arith.constant 1 : i32
    %scan3A_854 = arith.constant 24 : i32
    %scan3A_855 = arith.addi %scan3A_853, %scan3A_854 : i32
    %scan3A_856 = arith.constant 1 : i32
    scf.for %scan3A_934 = %scan3A_853 to %scan3A_855 step %scan3A_856  : i32 {
      %mul3A_935 = arith.constant 2 : i32
      %mul3A_936 = arith.muli %mul3A_935, %scan3A_934 : i32
      %add3A_937 = arith.constant 0 : i32
      %add3A_938 = arith.addi %mul3A_936, %add3A_937 : i32
      %dma_wait3A_939 = arith.constant 0 : i32
      %dma_wait3A_940 = arith.constant 0 : i32
      %dma_wait3A_941 = arith.constant 0 : i32
      %dma_wait3A_942 = arith.constant 0 : i32
      %dma_wait3A_943 = arith.constant 0 : i32
      %dma_wait3A_944 = arith.constant 0 : i32
      %dma_wait3A_945 = tpu.memref_slice %arg6[%dma_wait3A_941, %dma_wait3A_942, %dma_wait3A_943, %dma_wait3A_944] : memref<2x4x128x32xf32, #tpu.memory_space<vmem>> -> memref<1x1x128x32xf32, #tpu.memory_space<vmem>>
      %dma_wait3A_946 = tpu.memref_squeeze %dma_wait3A_945 : memref<1x1x128x32xf32, #tpu.memory_space<vmem>> -> memref<128x32xf32, #tpu.memory_space<vmem>>
      %dma_wait3A_947 = arith.constant 0 : i32
      %dma_wait3A_948 = tpu.memref_slice %arg5[%dma_wait3A_939, %dma_wait3A_940, %dma_wait3A_947] : memref<52x4x128xi32, #tpu.memory_space<vmem>> -> memref<1x1x128xi32, #tpu.memory_space<vmem>>
      %dma_wait3A_949 = tpu.memref_squeeze %dma_wait3A_948 : memref<1x1x128xi32, #tpu.memory_space<vmem>> -> memref<128xi32, #tpu.memory_space<vmem>>
      %dma_wait3A_950 = arith.constant 0 : i32
      %dma_wait3A_951 = arith.constant 0 : i32
      %dma_wait3A_952 = tpu.memref_slice %arg3[%dma_wait3A_950, %dma_wait3A_951] : memref<4000000x32xf32, #tpu.memory_space<hbm>> -> memref<4000000x32xf32, #tpu.memory_space<hbm>>
      tpu.wait_indirect_dma semaphore(%arg7 : memref<!tpu.dma_semaphore, #tpu.memory_space<semaphore_mem>>) src(%dma_wait3A_952 : memref<4000000x32xf32, #tpu.memory_space<hbm>>) dst(%dma_wait3A_946 : memref<128x32xf32, #tpu.memory_space<vmem>>)
      %dma_wait3A_953 = arith.constant 0 : i32
      %dma_wait3A_954 = arith.constant 1 : i32
      %dma_wait3A_955 = arith.constant 0 : i32
      %dma_wait3A_956 = arith.constant 1 : i32
      %dma_wait3A_957 = arith.constant 0 : i32
      %dma_wait3A_958 = arith.constant 0 : i32
      %dma_wait3A_959 = tpu.memref_slice %arg6[%dma_wait3A_955, %dma_wait3A_956, %dma_wait3A_957, %dma_wait3A_958] : memref<2x4x128x32xf32, #tpu.memory_space<vmem>> -> memref<1x1x128x32xf32, #tpu.memory_space<vmem>>
      %dma_wait3A_960 = tpu.memref_squeeze %dma_wait3A_959 : memref<1x1x128x32xf32, #tpu.memory_space<vmem>> -> memref<128x32xf32, #tpu.memory_space<vmem>>
      %dma_wait3A_961 = arith.constant 0 : i32
      %dma_wait3A_962 = tpu.memref_slice %arg5[%dma_wait3A_953, %dma_wait3A_954, %dma_wait3A_961] : memref<52x4x128xi32, #tpu.memory_space<vmem>> -> memref<1x1x128xi32, #tpu.memory_space<vmem>>
      %dma_wait3A_963 = tpu.memref_squeeze %dma_wait3A_962 : memref<1x1x128xi32, #tpu.memory_space<vmem>> -> memref<128xi32, #tpu.memory_space<vmem>>
      %dma_wait3A_964 = arith.constant 0 : i32
      %dma_wait3A_965 = arith.constant 0 : i32
      %dma_wait3A_966 = tpu.memref_slice %arg3[%dma_wait3A_964, %dma_wait3A_965] : memref<4000000x32xf32, #tpu.memory_space<hbm>> -> memref<4000000x32xf32, #tpu.memory_space<hbm>>
      tpu.wait_indirect_dma semaphore(%arg7 : memref<!tpu.dma_semaphore, #tpu.memory_space<semaphore_mem>>) src(%dma_wait3A_966 : memref<4000000x32xf32, #tpu.memory_space<hbm>>) dst(%dma_wait3A_960 : memref<128x32xf32, #tpu.memory_space<vmem>>)
      %dma_wait3A_967 = arith.constant 0 : i32
      %dma_wait3A_968 = arith.constant 2 : i32
      %dma_wait3A_969 = arith.constant 0 : i32
      %dma_wait3A_970 = arith.constant 2 : i32
      %dma_wait3A_971 = arith.constant 0 : i32
      %dma_wait3A_972 = arith.constant 0 : i32
      %dma_wait3A_973 = tpu.memref_slice %arg6[%dma_wait3A_969, %dma_wait3A_970, %dma_wait3A_971, %dma_wait3A_972] : memref<2x4x128x32xf32, #tpu.memory_space<vmem>> -> memref<1x1x128x32xf32, #tpu.memory_space<vmem>>
      %dma_wait3A_974 = tpu.memref_squeeze %dma_wait3A_973 : memref<1x1x128x32xf32, #tpu.memory_space<vmem>> -> memref<128x32xf32, #tpu.memory_space<vmem>>
      %dma_wait3A_975 = arith.constant 0 : i32
      %dma_wait3A_976 = tpu.memref_slice %arg5[%dma_wait3A_967, %dma_wait3A_968, %dma_wait3A_975] : memref<52x4x128xi32, #tpu.memory_space<vmem>> -> memref<1x1x128xi32, #tpu.memory_space<vmem>>
      %dma_wait3A_977 = tpu.memref_squeeze %dma_wait3A_976 : memref<1x1x128xi32, #tpu.memory_space<vmem>> -> memref<128xi32, #tpu.memory_space<vmem>>
      %dma_wait3A_978 = arith.constant 0 : i32
      %dma_wait3A_979 = arith.constant 0 : i32
      %dma_wait3A_980 = tpu.memref_slice %arg3[%dma_wait3A_978, %dma_wait3A_979] : memref<4000000x32xf32, #tpu.memory_space<hbm>> -> memref<4000000x32xf32, #tpu.memory_space<hbm>>
      tpu.wait_indirect_dma semaphore(%arg7 : memref<!tpu.dma_semaphore, #tpu.memory_space<semaphore_mem>>) src(%dma_wait3A_980 : memref<4000000x32xf32, #tpu.memory_space<hbm>>) dst(%dma_wait3A_974 : memref<128x32xf32, #tpu.memory_space<vmem>>)
      %dma_wait3A_981 = arith.constant 0 : i32
      %dma_wait3A_982 = arith.constant 3 : i32
      %dma_wait3A_983 = arith.constant 0 : i32
      %dma_wait3A_984 = arith.constant 3 : i32
      %dma_wait3A_985 = arith.constant 0 : i32
      %dma_wait3A_986 = arith.constant 0 : i32
      %dma_wait3A_987 = tpu.memref_slice %arg6[%dma_wait3A_983, %dma_wait3A_984, %dma_wait3A_985, %dma_wait3A_986] : memref<2x4x128x32xf32, #tpu.memory_space<vmem>> -> memref<1x1x128x32xf32, #tpu.memory_space<vmem>>
      %dma_wait3A_988 = tpu.memref_squeeze %dma_wait3A_987 : memref<1x1x128x32xf32, #tpu.memory_space<vmem>> -> memref<128x32xf32, #tpu.memory_space<vmem>>
      %dma_wait3A_989 = arith.constant 0 : i32
      %dma_wait3A_990 = tpu.memref_slice %arg5[%dma_wait3A_981, %dma_wait3A_982, %dma_wait3A_989] : memref<52x4x128xi32, #tpu.memory_space<vmem>> -> memref<1x1x128xi32, #tpu.memory_space<vmem>>
      %dma_wait3A_991 = tpu.memref_squeeze %dma_wait3A_990 : memref<1x1x128xi32, #tpu.memory_space<vmem>> -> memref<128xi32, #tpu.memory_space<vmem>>
      %dma_wait3A_992 = arith.constant 0 : i32
      %dma_wait3A_993 = arith.constant 0 : i32
      %dma_wait3A_994 = tpu.memref_slice %arg3[%dma_wait3A_992, %dma_wait3A_993] : memref<4000000x32xf32, #tpu.memory_space<hbm>> -> memref<4000000x32xf32, #tpu.memory_space<hbm>>
      tpu.wait_indirect_dma semaphore(%arg7 : memref<!tpu.dma_semaphore, #tpu.memory_space<semaphore_mem>>) src(%dma_wait3A_994 : memref<4000000x32xf32, #tpu.memory_space<hbm>>) dst(%dma_wait3A_988 : memref<128x32xf32, #tpu.memory_space<vmem>>)
      %sub3A = arith.constant 1 : i32
      %sub3A_995 = arith.subi %add3A_938, %sub3A : i32
      %dma_wait3A_996 = arith.constant 1 : i32
      %dma_wait3A_997 = arith.constant 0 : i32
      %dma_wait3A_998 = arith.constant 0 : i32
      %dma_wait3A_999 = arith.constant 0 : i32
      %dma_wait3A_1000 = tpu.memref_slice %arg6[%dma_wait3A_996, %dma_wait3A_997, %dma_wait3A_998, %dma_wait3A_999] : memref<2x4x128x32xf32, #tpu.memory_space<vmem>> -> memref<1x4x128x32xf32, #tpu.memory_space<vmem>>
      %dma_wait3A_1001 = tpu.memref_squeeze %dma_wait3A_1000 : memref<1x4x128x32xf32, #tpu.memory_space<vmem>> -> memref<4x128x32xf32, #tpu.memory_space<vmem>>
      %dma_wait3A_1002 = arith.constant 0 : i32
      %dma_wait3A_1003 = arith.constant 0 : i32
      %dma_wait3A_1004 = tpu.memref_slice %arg4[%sub3A_995, %mul3A_2, %dma_wait3A_1002, %dma_wait3A_1003] : memref<50x128x128x32xf32, #tpu.memory_space<hbm>> -> memref<1x4x128x32xf32, #tpu.memory_space<hbm>>
      %dma_wait3A_1005 = tpu.memref_squeeze %dma_wait3A_1004 : memref<1x4x128x32xf32, #tpu.memory_space<hbm>> -> memref<4x128x32xf32, #tpu.memory_space<hbm>>
      %dma_wait3A_1006 = arith.constant 0 : i32
      %dma_wait3A_1007 = arith.constant 0 : i32
      %dma_wait3A_1008 = tpu.memref_slice %arg4[%sub3A_995, %mul3A_2, %dma_wait3A_1006, %dma_wait3A_1007] : memref<50x128x128x32xf32, #tpu.memory_space<hbm>> -> memref<1x4x128x32xf32, #tpu.memory_space<hbm>>
      %dma_wait3A_1009 = tpu.memref_squeeze %dma_wait3A_1008 : memref<1x4x128x32xf32, #tpu.memory_space<hbm>> -> memref<4x128x32xf32, #tpu.memory_space<hbm>>
      %dma_wait3A_1010 = arith.constant 0 : i32
      %dma_wait3A_1011 = arith.constant 0 : i32
      %dma_wait3A_1012 = arith.constant 0 : i32
      %dma_wait3A_1013 = tpu.memref_slice %arg6[%dma_wait3A_996, %dma_wait3A_1010, %dma_wait3A_1011, %dma_wait3A_1012] : memref<2x4x128x32xf32, #tpu.memory_space<vmem>> -> memref<1x4x128x32xf32, #tpu.memory_space<vmem>>
      %dma_wait3A_1014 = tpu.memref_squeeze %dma_wait3A_1013 : memref<1x4x128x32xf32, #tpu.memory_space<vmem>> -> memref<4x128x32xf32, #tpu.memory_space<vmem>>
      tpu.wait_dma2 semaphore(%arg9 : memref<!tpu.dma_semaphore, #tpu.memory_space<semaphore_mem>>) src(%dma_wait3A_1014 : memref<4x128x32xf32, #tpu.memory_space<vmem>>) dst(%dma_wait3A_1009 : memref<4x128x32xf32, #tpu.memory_space<hbm>>)
      %add3A_1015 = arith.constant 1 : i32
      %add3A_1016 = arith.addi %add3A_938, %add3A_1015 : i32
      %dma_start3A_1017 = arith.constant 0 : i32
      %dma_start3A_1018 = arith.constant 1 : i32
      %dma_start3A_1019 = arith.constant 0 : i32
      %dma_start3A_1020 = arith.constant 0 : i32
      %dma_start3A_1021 = arith.constant 0 : i32
      %dma_start3A_1022 = tpu.memref_slice %arg6[%dma_start3A_1018, %dma_start3A_1019, %dma_start3A_1020, %dma_start3A_1021] : memref<2x4x128x32xf32, #tpu.memory_space<vmem>> -> memref<1x1x128x32xf32, #tpu.memory_space<vmem>>
      %dma_start3A_1023 = tpu.memref_squeeze %dma_start3A_1022 : memref<1x1x128x32xf32, #tpu.memory_space<vmem>> -> memref<128x32xf32, #tpu.memory_space<vmem>>
      %dma_start3A_1024 = arith.constant 0 : i32
      %dma_start3A_1025 = tpu.memref_slice %arg5[%add3A_1016, %dma_start3A_1017, %dma_start3A_1024] : memref<52x4x128xi32, #tpu.memory_space<vmem>> -> memref<1x1x128xi32, #tpu.memory_space<vmem>>
      %dma_start3A_1026 = tpu.memref_squeeze %dma_start3A_1025 : memref<1x1x128xi32, #tpu.memory_space<vmem>> -> memref<128xi32, #tpu.memory_space<vmem>>
      %dma_start3A_1027 = arith.constant 0 : i32
      %dma_start3A_1028 = arith.constant 0 : i32
      %dma_start3A_1029 = tpu.memref_slice %arg3[%dma_start3A_1027, %dma_start3A_1028] : memref<4000000x32xf32, #tpu.memory_space<hbm>> -> memref<4000000x32xf32, #tpu.memory_space<hbm>>
      tpu.enqueue_indirect_dma source(%dma_start3A_1029 : memref<4000000x32xf32, #tpu.memory_space<hbm>>) target(%dma_start3A_1023 : memref<128x32xf32, #tpu.memory_space<vmem>>) offsets(%dma_start3A_1026 : memref<128xi32, #tpu.memory_space<vmem>>) semaphore(%arg7 : memref<!tpu.dma_semaphore, #tpu.memory_space<semaphore_mem>>)
      %dma_start3A_1030 = arith.constant 1 : i32
      %dma_start3A_1031 = arith.constant 1 : i32
      %dma_start3A_1032 = arith.constant 1 : i32
      %dma_start3A_1033 = arith.constant 0 : i32
      %dma_start3A_1034 = arith.constant 0 : i32
      %dma_start3A_1035 = tpu.memref_slice %arg6[%dma_start3A_1031, %dma_start3A_1032, %dma_start3A_1033, %dma_start3A_1034] : memref<2x4x128x32xf32, #tpu.memory_space<vmem>> -> memref<1x1x128x32xf32, #tpu.memory_space<vmem>>
      %dma_start3A_1036 = tpu.memref_squeeze %dma_start3A_1035 : memref<1x1x128x32xf32, #tpu.memory_space<vmem>> -> memref<128x32xf32, #tpu.memory_space<vmem>>
      %dma_start3A_1037 = arith.constant 0 : i32
      %dma_start3A_1038 = tpu.memref_slice %arg5[%add3A_1016, %dma_start3A_1030, %dma_start3A_1037] : memref<52x4x128xi32, #tpu.memory_space<vmem>> -> memref<1x1x128xi32, #tpu.memory_space<vmem>>
      %dma_start3A_1039 = tpu.memref_squeeze %dma_start3A_1038 : memref<1x1x128xi32, #tpu.memory_space<vmem>> -> memref<128xi32, #tpu.memory_space<vmem>>
      %dma_start3A_1040 = arith.constant 0 : i32
      %dma_start3A_1041 = arith.constant 0 : i32
      %dma_start3A_1042 = tpu.memref_slice %arg3[%dma_start3A_1040, %dma_start3A_1041] : memref<4000000x32xf32, #tpu.memory_space<hbm>> -> memref<4000000x32xf32, #tpu.memory_space<hbm>>
      tpu.enqueue_indirect_dma source(%dma_start3A_1042 : memref<4000000x32xf32, #tpu.memory_space<hbm>>) target(%dma_start3A_1036 : memref<128x32xf32, #tpu.memory_space<vmem>>) offsets(%dma_start3A_1039 : memref<128xi32, #tpu.memory_space<vmem>>) semaphore(%arg7 : memref<!tpu.dma_semaphore, #tpu.memory_space<semaphore_mem>>)
      %dma_start3A_1043 = arith.constant 2 : i32
      %dma_start3A_1044 = arith.constant 1 : i32
      %dma_start3A_1045 = arith.constant 2 : i32
      %dma_start3A_1046 = arith.constant 0 : i32
      %dma_start3A_1047 = arith.constant 0 : i32
      %dma_start3A_1048 = tpu.memref_slice %arg6[%dma_start3A_1044, %dma_start3A_1045, %dma_start3A_1046, %dma_start3A_1047] : memref<2x4x128x32xf32, #tpu.memory_space<vmem>> -> memref<1x1x128x32xf32, #tpu.memory_space<vmem>>
      %dma_start3A_1049 = tpu.memref_squeeze %dma_start3A_1048 : memref<1x1x128x32xf32, #tpu.memory_space<vmem>> -> memref<128x32xf32, #tpu.memory_space<vmem>>
      %dma_start3A_1050 = arith.constant 0 : i32
      %dma_start3A_1051 = tpu.memref_slice %arg5[%add3A_1016, %dma_start3A_1043, %dma_start3A_1050] : memref<52x4x128xi32, #tpu.memory_space<vmem>> -> memref<1x1x128xi32, #tpu.memory_space<vmem>>
      %dma_start3A_1052 = tpu.memref_squeeze %dma_start3A_1051 : memref<1x1x128xi32, #tpu.memory_space<vmem>> -> memref<128xi32, #tpu.memory_space<vmem>>
      %dma_start3A_1053 = arith.constant 0 : i32
      %dma_start3A_1054 = arith.constant 0 : i32
      %dma_start3A_1055 = tpu.memref_slice %arg3[%dma_start3A_1053, %dma_start3A_1054] : memref<4000000x32xf32, #tpu.memory_space<hbm>> -> memref<4000000x32xf32, #tpu.memory_space<hbm>>
      tpu.enqueue_indirect_dma source(%dma_start3A_1055 : memref<4000000x32xf32, #tpu.memory_space<hbm>>) target(%dma_start3A_1049 : memref<128x32xf32, #tpu.memory_space<vmem>>) offsets(%dma_start3A_1052 : memref<128xi32, #tpu.memory_space<vmem>>) semaphore(%arg7 : memref<!tpu.dma_semaphore, #tpu.memory_space<semaphore_mem>>)
      %dma_start3A_1056 = arith.constant 3 : i32
      %dma_start3A_1057 = arith.constant 1 : i32
      %dma_start3A_1058 = arith.constant 3 : i32
      %dma_start3A_1059 = arith.constant 0 : i32
      %dma_start3A_1060 = arith.constant 0 : i32
      %dma_start3A_1061 = tpu.memref_slice %arg6[%dma_start3A_1057, %dma_start3A_1058, %dma_start3A_1059, %dma_start3A_1060] : memref<2x4x128x32xf32, #tpu.memory_space<vmem>> -> memref<1x1x128x32xf32, #tpu.memory_space<vmem>>
      %dma_start3A_1062 = tpu.memref_squeeze %dma_start3A_1061 : memref<1x1x128x32xf32, #tpu.memory_space<vmem>> -> memref<128x32xf32, #tpu.memory_space<vmem>>
      %dma_start3A_1063 = arith.constant 0 : i32
      %dma_start3A_1064 = tpu.memref_slice %arg5[%add3A_1016, %dma_start3A_1056, %dma_start3A_1063] : memref<52x4x128xi32, #tpu.memory_space<vmem>> -> memref<1x1x128xi32, #tpu.memory_space<vmem>>
      %dma_start3A_1065 = tpu.memref_squeeze %dma_start3A_1064 : memref<1x1x128xi32, #tpu.memory_space<vmem>> -> memref<128xi32, #tpu.memory_space<vmem>>
      %dma_start3A_1066 = arith.constant 0 : i32
      %dma_start3A_1067 = arith.constant 0 : i32
      %dma_start3A_1068 = tpu.memref_slice %arg3[%dma_start3A_1066, %dma_start3A_1067] : memref<4000000x32xf32, #tpu.memory_space<hbm>> -> memref<4000000x32xf32, #tpu.memory_space<hbm>>
      tpu.enqueue_indirect_dma source(%dma_start3A_1068 : memref<4000000x32xf32, #tpu.memory_space<hbm>>) target(%dma_start3A_1062 : memref<128x32xf32, #tpu.memory_space<vmem>>) offsets(%dma_start3A_1065 : memref<128xi32, #tpu.memory_space<vmem>>) semaphore(%arg7 : memref<!tpu.dma_semaphore, #tpu.memory_space<semaphore_mem>>)
      %dma_start3A_1069 = arith.constant 0 : i32
      %dma_start3A_1070 = arith.constant 0 : i32
      %dma_start3A_1071 = arith.constant 0 : i32
      %dma_start3A_1072 = arith.constant 0 : i32
      %dma_start3A_1073 = tpu.memref_slice %arg6[%dma_start3A_1069, %dma_start3A_1070, %dma_start3A_1071, %dma_start3A_1072] : memref<2x4x128x32xf32, #tpu.memory_space<vmem>> -> memref<1x4x128x32xf32, #tpu.memory_space<vmem>>
      %dma_start3A_1074 = tpu.memref_squeeze %dma_start3A_1073 : memref<1x4x128x32xf32, #tpu.memory_space<vmem>> -> memref<4x128x32xf32, #tpu.memory_space<vmem>>
      %dma_start3A_1075 = arith.constant 0 : i32
      %dma_start3A_1076 = arith.constant 0 : i32
      %dma_start3A_1077 = tpu.memref_slice %arg4[%add3A_938, %mul3A_2, %dma_start3A_1075, %dma_start3A_1076] : memref<50x128x128x32xf32, #tpu.memory_space<hbm>> -> memref<1x4x128x32xf32, #tpu.memory_space<hbm>>
      %dma_start3A_1078 = tpu.memref_squeeze %dma_start3A_1077 : memref<1x4x128x32xf32, #tpu.memory_space<hbm>> -> memref<4x128x32xf32, #tpu.memory_space<hbm>>
      %dma_start3A_1079 = arith.constant 0 : i32
      %dma_start3A_1080 = arith.constant 0 : i32
      %dma_start3A_1081 = tpu.memref_slice %arg4[%add3A_938, %mul3A_2, %dma_start3A_1079, %dma_start3A_1080] : memref<50x128x128x32xf32, #tpu.memory_space<hbm>> -> memref<1x4x128x32xf32, #tpu.memory_space<hbm>>
      %dma_start3A_1082 = tpu.memref_squeeze %dma_start3A_1081 : memref<1x4x128x32xf32, #tpu.memory_space<hbm>> -> memref<4x128x32xf32, #tpu.memory_space<hbm>>
      %dma_start3A_1083 = arith.constant 0 : i32
      %dma_start3A_1084 = arith.constant 0 : i32
      %dma_start3A_1085 = arith.constant 0 : i32
      %dma_start3A_1086 = tpu.memref_slice %arg6[%dma_start3A_1069, %dma_start3A_1083, %dma_start3A_1084, %dma_start3A_1085] : memref<2x4x128x32xf32, #tpu.memory_space<vmem>> -> memref<1x4x128x32xf32, #tpu.memory_space<vmem>>
      %dma_start3A_1087 = tpu.memref_squeeze %dma_start3A_1086 : memref<1x4x128x32xf32, #tpu.memory_space<vmem>> -> memref<4x128x32xf32, #tpu.memory_space<vmem>>
      tpu.enqueue_dma source(%dma_start3A_1087 : memref<4x128x32xf32, #tpu.memory_space<vmem>>) target(%dma_start3A_1082 : memref<4x128x32xf32, #tpu.memory_space<hbm>>) target_semaphore(%arg8 : memref<!tpu.dma_semaphore, #tpu.memory_space<semaphore_mem>>)
      %mul3A_1088 = arith.constant 2 : i32
      %mul3A_1089 = arith.muli %mul3A_1088, %scan3A_934 : i32
      %add3A_1090 = arith.constant 1 : i32
      %add3A_1091 = arith.addi %mul3A_1089, %add3A_1090 : i32
      %dma_wait3A_1092 = arith.constant 0 : i32
      %dma_wait3A_1093 = arith.constant 0 : i32
      %dma_wait3A_1094 = arith.constant 1 : i32
      %dma_wait3A_1095 = arith.constant 0 : i32
      %dma_wait3A_1096 = arith.constant 0 : i32
      %dma_wait3A_1097 = arith.constant 0 : i32
      %dma_wait3A_1098 = tpu.memref_slice %arg6[%dma_wait3A_1094, %dma_wait3A_1095, %dma_wait3A_1096, %dma_wait3A_1097] : memref<2x4x128x32xf32, #tpu.memory_space<vmem>> -> memref<1x1x128x32xf32, #tpu.memory_space<vmem>>
      %dma_wait3A_1099 = tpu.memref_squeeze %dma_wait3A_1098 : memref<1x1x128x32xf32, #tpu.memory_space<vmem>> -> memref<128x32xf32, #tpu.memory_space<vmem>>
      %dma_wait3A_1100 = arith.constant 0 : i32
      %dma_wait3A_1101 = tpu.memref_slice %arg5[%dma_wait3A_1092, %dma_wait3A_1093, %dma_wait3A_1100] : memref<52x4x128xi32, #tpu.memory_space<vmem>> -> memref<1x1x128xi32, #tpu.memory_space<vmem>>
      %dma_wait3A_1102 = tpu.memref_squeeze %dma_wait3A_1101 : memref<1x1x128xi32, #tpu.memory_space<vmem>> -> memref<128xi32, #tpu.memory_space<vmem>>
      %dma_wait3A_1103 = arith.constant 0 : i32
      %dma_wait3A_1104 = arith.constant 0 : i32
      %dma_wait3A_1105 = tpu.memref_slice %arg3[%dma_wait3A_1103, %dma_wait3A_1104] : memref<4000000x32xf32, #tpu.memory_space<hbm>> -> memref<4000000x32xf32, #tpu.memory_space<hbm>>
      tpu.wait_indirect_dma semaphore(%arg7 : memref<!tpu.dma_semaphore, #tpu.memory_space<semaphore_mem>>) src(%dma_wait3A_1105 : memref<4000000x32xf32, #tpu.memory_space<hbm>>) dst(%dma_wait3A_1099 : memref<128x32xf32, #tpu.memory_space<vmem>>)
      %dma_wait3A_1106 = arith.constant 0 : i32
      %dma_wait3A_1107 = arith.constant 1 : i32
      %dma_wait3A_1108 = arith.constant 1 : i32
      %dma_wait3A_1109 = arith.constant 1 : i32
      %dma_wait3A_1110 = arith.constant 0 : i32
      %dma_wait3A_1111 = arith.constant 0 : i32
      %dma_wait3A_1112 = tpu.memref_slice %arg6[%dma_wait3A_1108, %dma_wait3A_1109, %dma_wait3A_1110, %dma_wait3A_1111] : memref<2x4x128x32xf32, #tpu.memory_space<vmem>> -> memref<1x1x128x32xf32, #tpu.memory_space<vmem>>
      %dma_wait3A_1113 = tpu.memref_squeeze %dma_wait3A_1112 : memref<1x1x128x32xf32, #tpu.memory_space<vmem>> -> memref<128x32xf32, #tpu.memory_space<vmem>>
      %dma_wait3A_1114 = arith.constant 0 : i32
      %dma_wait3A_1115 = tpu.memref_slice %arg5[%dma_wait3A_1106, %dma_wait3A_1107, %dma_wait3A_1114] : memref<52x4x128xi32, #tpu.memory_space<vmem>> -> memref<1x1x128xi32, #tpu.memory_space<vmem>>
      %dma_wait3A_1116 = tpu.memref_squeeze %dma_wait3A_1115 : memref<1x1x128xi32, #tpu.memory_space<vmem>> -> memref<128xi32, #tpu.memory_space<vmem>>
      %dma_wait3A_1117 = arith.constant 0 : i32
      %dma_wait3A_1118 = arith.constant 0 : i32
      %dma_wait3A_1119 = tpu.memref_slice %arg3[%dma_wait3A_1117, %dma_wait3A_1118] : memref<4000000x32xf32, #tpu.memory_space<hbm>> -> memref<4000000x32xf32, #tpu.memory_space<hbm>>
      tpu.wait_indirect_dma semaphore(%arg7 : memref<!tpu.dma_semaphore, #tpu.memory_space<semaphore_mem>>) src(%dma_wait3A_1119 : memref<4000000x32xf32, #tpu.memory_space<hbm>>) dst(%dma_wait3A_1113 : memref<128x32xf32, #tpu.memory_space<vmem>>)
      %dma_wait3A_1120 = arith.constant 0 : i32
      %dma_wait3A_1121 = arith.constant 2 : i32
      %dma_wait3A_1122 = arith.constant 1 : i32
      %dma_wait3A_1123 = arith.constant 2 : i32
      %dma_wait3A_1124 = arith.constant 0 : i32
      %dma_wait3A_1125 = arith.constant 0 : i32
      %dma_wait3A_1126 = tpu.memref_slice %arg6[%dma_wait3A_1122, %dma_wait3A_1123, %dma_wait3A_1124, %dma_wait3A_1125] : memref<2x4x128x32xf32, #tpu.memory_space<vmem>> -> memref<1x1x128x32xf32, #tpu.memory_space<vmem>>
      %dma_wait3A_1127 = tpu.memref_squeeze %dma_wait3A_1126 : memref<1x1x128x32xf32, #tpu.memory_space<vmem>> -> memref<128x32xf32, #tpu.memory_space<vmem>>
      %dma_wait3A_1128 = arith.constant 0 : i32
      %dma_wait3A_1129 = tpu.memref_slice %arg5[%dma_wait3A_1120, %dma_wait3A_1121, %dma_wait3A_1128] : memref<52x4x128xi32, #tpu.memory_space<vmem>> -> memref<1x1x128xi32, #tpu.memory_space<vmem>>
      %dma_wait3A_1130 = tpu.memref_squeeze %dma_wait3A_1129 : memref<1x1x128xi32, #tpu.memory_space<vmem>> -> memref<128xi32, #tpu.memory_space<vmem>>
      %dma_wait3A_1131 = arith.constant 0 : i32
      %dma_wait3A_1132 = arith.constant 0 : i32
      %dma_wait3A_1133 = tpu.memref_slice %arg3[%dma_wait3A_1131, %dma_wait3A_1132] : memref<4000000x32xf32, #tpu.memory_space<hbm>> -> memref<4000000x32xf32, #tpu.memory_space<hbm>>
      tpu.wait_indirect_dma semaphore(%arg7 : memref<!tpu.dma_semaphore, #tpu.memory_space<semaphore_mem>>) src(%dma_wait3A_1133 : memref<4000000x32xf32, #tpu.memory_space<hbm>>) dst(%dma_wait3A_1127 : memref<128x32xf32, #tpu.memory_space<vmem>>)
      %dma_wait3A_1134 = arith.constant 0 : i32
      %dma_wait3A_1135 = arith.constant 3 : i32
      %dma_wait3A_1136 = arith.constant 1 : i32
      %dma_wait3A_1137 = arith.constant 3 : i32
      %dma_wait3A_1138 = arith.constant 0 : i32
      %dma_wait3A_1139 = arith.constant 0 : i32
      %dma_wait3A_1140 = tpu.memref_slice %arg6[%dma_wait3A_1136, %dma_wait3A_1137, %dma_wait3A_1138, %dma_wait3A_1139] : memref<2x4x128x32xf32, #tpu.memory_space<vmem>> -> memref<1x1x128x32xf32, #tpu.memory_space<vmem>>
      %dma_wait3A_1141 = tpu.memref_squeeze %dma_wait3A_1140 : memref<1x1x128x32xf32, #tpu.memory_space<vmem>> -> memref<128x32xf32, #tpu.memory_space<vmem>>
      %dma_wait3A_1142 = arith.constant 0 : i32
      %dma_wait3A_1143 = tpu.memref_slice %arg5[%dma_wait3A_1134, %dma_wait3A_1135, %dma_wait3A_1142] : memref<52x4x128xi32, #tpu.memory_space<vmem>> -> memref<1x1x128xi32, #tpu.memory_space<vmem>>
      %dma_wait3A_1144 = tpu.memref_squeeze %dma_wait3A_1143 : memref<1x1x128xi32, #tpu.memory_space<vmem>> -> memref<128xi32, #tpu.memory_space<vmem>>
      %dma_wait3A_1145 = arith.constant 0 : i32
      %dma_wait3A_1146 = arith.constant 0 : i32
      %dma_wait3A_1147 = tpu.memref_slice %arg3[%dma_wait3A_1145, %dma_wait3A_1146] : memref<4000000x32xf32, #tpu.memory_space<hbm>> -> memref<4000000x32xf32, #tpu.memory_space<hbm>>
      tpu.wait_indirect_dma semaphore(%arg7 : memref<!tpu.dma_semaphore, #tpu.memory_space<semaphore_mem>>) src(%dma_wait3A_1147 : memref<4000000x32xf32, #tpu.memory_space<hbm>>) dst(%dma_wait3A_1141 : memref<128x32xf32, #tpu.memory_space<vmem>>)
      %sub3A_1148 = arith.constant 1 : i32
      %sub3A_1149 = arith.subi %add3A_1091, %sub3A_1148 : i32
      %dma_wait3A_1150 = arith.constant 0 : i32
      %dma_wait3A_1151 = arith.constant 0 : i32
      %dma_wait3A_1152 = arith.constant 0 : i32
      %dma_wait3A_1153 = arith.constant 0 : i32
      %dma_wait3A_1154 = tpu.memref_slice %arg6[%dma_wait3A_1150, %dma_wait3A_1151, %dma_wait3A_1152, %dma_wait3A_1153] : memref<2x4x128x32xf32, #tpu.memory_space<vmem>> -> memref<1x4x128x32xf32, #tpu.memory_space<vmem>>
      %dma_wait3A_1155 = tpu.memref_squeeze %dma_wait3A_1154 : memref<1x4x128x32xf32, #tpu.memory_space<vmem>> -> memref<4x128x32xf32, #tpu.memory_space<vmem>>
      %dma_wait3A_1156 = arith.constant 0 : i32
      %dma_wait3A_1157 = arith.constant 0 : i32
      %dma_wait3A_1158 = tpu.memref_slice %arg4[%sub3A_1149, %mul3A_2, %dma_wait3A_1156, %dma_wait3A_1157] : memref<50x128x128x32xf32, #tpu.memory_space<hbm>> -> memref<1x4x128x32xf32, #tpu.memory_space<hbm>>
      %dma_wait3A_1159 = tpu.memref_squeeze %dma_wait3A_1158 : memref<1x4x128x32xf32, #tpu.memory_space<hbm>> -> memref<4x128x32xf32, #tpu.memory_space<hbm>>
      %dma_wait3A_1160 = arith.constant 0 : i32
      %dma_wait3A_1161 = arith.constant 0 : i32
      %dma_wait3A_1162 = tpu.memref_slice %arg4[%sub3A_1149, %mul3A_2, %dma_wait3A_1160, %dma_wait3A_1161] : memref<50x128x128x32xf32, #tpu.memory_space<hbm>> -> memref<1x4x128x32xf32, #tpu.memory_space<hbm>>
      %dma_wait3A_1163 = tpu.memref_squeeze %dma_wait3A_1162 : memref<1x4x128x32xf32, #tpu.memory_space<hbm>> -> memref<4x128x32xf32, #tpu.memory_space<hbm>>
      %dma_wait3A_1164 = arith.constant 0 : i32
      %dma_wait3A_1165 = arith.constant 0 : i32
      %dma_wait3A_1166 = arith.constant 0 : i32
      %dma_wait3A_1167 = tpu.memref_slice %arg6[%dma_wait3A_1150, %dma_wait3A_1164, %dma_wait3A_1165, %dma_wait3A_1166] : memref<2x4x128x32xf32, #tpu.memory_space<vmem>> -> memref<1x4x128x32xf32, #tpu.memory_space<vmem>>
      %dma_wait3A_1168 = tpu.memref_squeeze %dma_wait3A_1167 : memref<1x4x128x32xf32, #tpu.memory_space<vmem>> -> memref<4x128x32xf32, #tpu.memory_space<vmem>>
      tpu.wait_dma2 semaphore(%arg8 : memref<!tpu.dma_semaphore, #tpu.memory_space<semaphore_mem>>) src(%dma_wait3A_1168 : memref<4x128x32xf32, #tpu.memory_space<vmem>>) dst(%dma_wait3A_1163 : memref<4x128x32xf32, #tpu.memory_space<hbm>>)
      %add3A_1169 = arith.constant 1 : i32
      %add3A_1170 = arith.addi %add3A_1091, %add3A_1169 : i32
      %dma_start3A_1171 = arith.constant 0 : i32
      %dma_start3A_1172 = arith.constant 0 : i32
      %dma_start3A_1173 = arith.constant 0 : i32
      %dma_start3A_1174 = arith.constant 0 : i32
      %dma_start3A_1175 = arith.constant 0 : i32
      %dma_start3A_1176 = tpu.memref_slice %arg6[%dma_start3A_1172, %dma_start3A_1173, %dma_start3A_1174, %dma_start3A_1175] : memref<2x4x128x32xf32, #tpu.memory_space<vmem>> -> memref<1x1x128x32xf32, #tpu.memory_space<vmem>>
      %dma_start3A_1177 = tpu.memref_squeeze %dma_start3A_1176 : memref<1x1x128x32xf32, #tpu.memory_space<vmem>> -> memref<128x32xf32, #tpu.memory_space<vmem>>
      %dma_start3A_1178 = arith.constant 0 : i32
      %dma_start3A_1179 = tpu.memref_slice %arg5[%add3A_1170, %dma_start3A_1171, %dma_start3A_1178] : memref<52x4x128xi32, #tpu.memory_space<vmem>> -> memref<1x1x128xi32, #tpu.memory_space<vmem>>
      %dma_start3A_1180 = tpu.memref_squeeze %dma_start3A_1179 : memref<1x1x128xi32, #tpu.memory_space<vmem>> -> memref<128xi32, #tpu.memory_space<vmem>>
      %dma_start3A_1181 = arith.constant 0 : i32
      %dma_start3A_1182 = arith.constant 0 : i32
      %dma_start3A_1183 = tpu.memref_slice %arg3[%dma_start3A_1181, %dma_start3A_1182] : memref<4000000x32xf32, #tpu.memory_space<hbm>> -> memref<4000000x32xf32, #tpu.memory_space<hbm>>
      tpu.enqueue_indirect_dma source(%dma_start3A_1183 : memref<4000000x32xf32, #tpu.memory_space<hbm>>) target(%dma_start3A_1177 : memref<128x32xf32, #tpu.memory_space<vmem>>) offsets(%dma_start3A_1180 : memref<128xi32, #tpu.memory_space<vmem>>) semaphore(%arg7 : memref<!tpu.dma_semaphore, #tpu.memory_space<semaphore_mem>>)
      %dma_start3A_1184 = arith.constant 1 : i32
      %dma_start3A_1185 = arith.constant 0 : i32
      %dma_start3A_1186 = arith.constant 1 : i32
      %dma_start3A_1187 = arith.constant 0 : i32
      %dma_start3A_1188 = arith.constant 0 : i32
      %dma_start3A_1189 = tpu.memref_slice %arg6[%dma_start3A_1185, %dma_start3A_1186, %dma_start3A_1187, %dma_start3A_1188] : memref<2x4x128x32xf32, #tpu.memory_space<vmem>> -> memref<1x1x128x32xf32, #tpu.memory_space<vmem>>
      %dma_start3A_1190 = tpu.memref_squeeze %dma_start3A_1189 : memref<1x1x128x32xf32, #tpu.memory_space<vmem>> -> memref<128x32xf32, #tpu.memory_space<vmem>>
      %dma_start3A_1191 = arith.constant 0 : i32
      %dma_start3A_1192 = tpu.memref_slice %arg5[%add3A_1170, %dma_start3A_1184, %dma_start3A_1191] : memref<52x4x128xi32, #tpu.memory_space<vmem>> -> memref<1x1x128xi32, #tpu.memory_space<vmem>>
      %dma_start3A_1193 = tpu.memref_squeeze %dma_start3A_1192 : memref<1x1x128xi32, #tpu.memory_space<vmem>> -> memref<128xi32, #tpu.memory_space<vmem>>
      %dma_start3A_1194 = arith.constant 0 : i32
      %dma_start3A_1195 = arith.constant 0 : i32
      %dma_start3A_1196 = tpu.memref_slice %arg3[%dma_start3A_1194, %dma_start3A_1195] : memref<4000000x32xf32, #tpu.memory_space<hbm>> -> memref<4000000x32xf32, #tpu.memory_space<hbm>>
      tpu.enqueue_indirect_dma source(%dma_start3A_1196 : memref<4000000x32xf32, #tpu.memory_space<hbm>>) target(%dma_start3A_1190 : memref<128x32xf32, #tpu.memory_space<vmem>>) offsets(%dma_start3A_1193 : memref<128xi32, #tpu.memory_space<vmem>>) semaphore(%arg7 : memref<!tpu.dma_semaphore, #tpu.memory_space<semaphore_mem>>)
      %dma_start3A_1197 = arith.constant 2 : i32
      %dma_start3A_1198 = arith.constant 0 : i32
      %dma_start3A_1199 = arith.constant 2 : i32
      %dma_start3A_1200 = arith.constant 0 : i32
      %dma_start3A_1201 = arith.constant 0 : i32
      %dma_start3A_1202 = tpu.memref_slice %arg6[%dma_start3A_1198, %dma_start3A_1199, %dma_start3A_1200, %dma_start3A_1201] : memref<2x4x128x32xf32, #tpu.memory_space<vmem>> -> memref<1x1x128x32xf32, #tpu.memory_space<vmem>>
      %dma_start3A_1203 = tpu.memref_squeeze %dma_start3A_1202 : memref<1x1x128x32xf32, #tpu.memory_space<vmem>> -> memref<128x32xf32, #tpu.memory_space<vmem>>
      %dma_start3A_1204 = arith.constant 0 : i32
      %dma_start3A_1205 = tpu.memref_slice %arg5[%add3A_1170, %dma_start3A_1197, %dma_start3A_1204] : memref<52x4x128xi32, #tpu.memory_space<vmem>> -> memref<1x1x128xi32, #tpu.memory_space<vmem>>
      %dma_start3A_1206 = tpu.memref_squeeze %dma_start3A_1205 : memref<1x1x128xi32, #tpu.memory_space<vmem>> -> memref<128xi32, #tpu.memory_space<vmem>>
      %dma_start3A_1207 = arith.constant 0 : i32
      %dma_start3A_1208 = arith.constant 0 : i32
      %dma_start3A_1209 = tpu.memref_slice %arg3[%dma_start3A_1207, %dma_start3A_1208] : memref<4000000x32xf32, #tpu.memory_space<hbm>> -> memref<4000000x32xf32, #tpu.memory_space<hbm>>
      tpu.enqueue_indirect_dma source(%dma_start3A_1209 : memref<4000000x32xf32, #tpu.memory_space<hbm>>) target(%dma_start3A_1203 : memref<128x32xf32, #tpu.memory_space<vmem>>) offsets(%dma_start3A_1206 : memref<128xi32, #tpu.memory_space<vmem>>) semaphore(%arg7 : memref<!tpu.dma_semaphore, #tpu.memory_space<semaphore_mem>>)
      %dma_start3A_1210 = arith.constant 3 : i32
      %dma_start3A_1211 = arith.constant 0 : i32
      %dma_start3A_1212 = arith.constant 3 : i32
      %dma_start3A_1213 = arith.constant 0 : i32
      %dma_start3A_1214 = arith.constant 0 : i32
      %dma_start3A_1215 = tpu.memref_slice %arg6[%dma_start3A_1211, %dma_start3A_1212, %dma_start3A_1213, %dma_start3A_1214] : memref<2x4x128x32xf32, #tpu.memory_space<vmem>> -> memref<1x1x128x32xf32, #tpu.memory_space<vmem>>
      %dma_start3A_1216 = tpu.memref_squeeze %dma_start3A_1215 : memref<1x1x128x32xf32, #tpu.memory_space<vmem>> -> memref<128x32xf32, #tpu.memory_space<vmem>>
      %dma_start3A_1217 = arith.constant 0 : i32
      %dma_start3A_1218 = tpu.memref_slice %arg5[%add3A_1170, %dma_start3A_1210, %dma_start3A_1217] : memref<52x4x128xi32, #tpu.memory_space<vmem>> -> memref<1x1x128xi32, #tpu.memory_space<vmem>>
      %dma_start3A_1219 = tpu.memref_squeeze %dma_start3A_1218 : memref<1x1x128xi32, #tpu.memory_space<vmem>> -> memref<128xi32, #tpu.memory_space<vmem>>
      %dma_start3A_1220 = arith.constant 0 : i32
      %dma_start3A_1221 = arith.constant 0 : i32
      %dma_start3A_1222 = tpu.memref_slice %arg3[%dma_start3A_1220, %dma_start3A_1221] : memref<4000000x32xf32, #tpu.memory_space<hbm>> -> memref<4000000x32xf32, #tpu.memory_space<hbm>>
      tpu.enqueue_indirect_dma source(%dma_start3A_1222 : memref<4000000x32xf32, #tpu.memory_space<hbm>>) target(%dma_start3A_1216 : memref<128x32xf32, #tpu.memory_space<vmem>>) offsets(%dma_start3A_1219 : memref<128xi32, #tpu.memory_space<vmem>>) semaphore(%arg7 : memref<!tpu.dma_semaphore, #tpu.memory_space<semaphore_mem>>)
      %dma_start3A_1223 = arith.constant 1 : i32
      %dma_start3A_1224 = arith.constant 0 : i32
      %dma_start3A_1225 = arith.constant 0 : i32
      %dma_start3A_1226 = arith.constant 0 : i32
      %dma_start3A_1227 = tpu.memref_slice %arg6[%dma_start3A_1223, %dma_start3A_1224, %dma_start3A_1225, %dma_start3A_1226] : memref<2x4x128x32xf32, #tpu.memory_space<vmem>> -> memref<1x4x128x32xf32, #tpu.memory_space<vmem>>
      %dma_start3A_1228 = tpu.memref_squeeze %dma_start3A_1227 : memref<1x4x128x32xf32, #tpu.memory_space<vmem>> -> memref<4x128x32xf32, #tpu.memory_space<vmem>>
      %dma_start3A_1229 = arith.constant 0 : i32
      %dma_start3A_1230 = arith.constant 0 : i32
      %dma_start3A_1231 = tpu.memref_slice %arg4[%add3A_1091, %mul3A_2, %dma_start3A_1229, %dma_start3A_1230] : memref<50x128x128x32xf32, #tpu.memory_space<hbm>> -> memref<1x4x128x32xf32, #tpu.memory_space<hbm>>
      %dma_start3A_1232 = tpu.memref_squeeze %dma_start3A_1231 : memref<1x4x128x32xf32, #tpu.memory_space<hbm>> -> memref<4x128x32xf32, #tpu.memory_space<hbm>>
      %dma_start3A_1233 = arith.constant 0 : i32
      %dma_start3A_1234 = arith.constant 0 : i32
      %dma_start3A_1235 = tpu.memref_slice %arg4[%add3A_1091, %mul3A_2, %dma_start3A_1233, %dma_start3A_1234] : memref<50x128x128x32xf32, #tpu.memory_space<hbm>> -> memref<1x4x128x32xf32, #tpu.memory_space<hbm>>
      %dma_start3A_1236 = tpu.memref_squeeze %dma_start3A_1235 : memref<1x4x128x32xf32, #tpu.memory_space<hbm>> -> memref<4x128x32xf32, #tpu.memory_space<hbm>>
      %dma_start3A_1237 = arith.constant 0 : i32
      %dma_start3A_1238 = arith.constant 0 : i32
      %dma_start3A_1239 = arith.constant 0 : i32
      %dma_start3A_1240 = tpu.memref_slice %arg6[%dma_start3A_1223, %dma_start3A_1237, %dma_start3A_1238, %dma_start3A_1239] : memref<2x4x128x32xf32, #tpu.memory_space<vmem>> -> memref<1x4x128x32xf32, #tpu.memory_space<vmem>>
      %dma_start3A_1241 = tpu.memref_squeeze %dma_start3A_1240 : memref<1x4x128x32xf32, #tpu.memory_space<vmem>> -> memref<4x128x32xf32, #tpu.memory_space<vmem>>
      tpu.enqueue_dma source(%dma_start3A_1241 : memref<4x128x32xf32, #tpu.memory_space<vmem>>) target(%dma_start3A_1236 : memref<4x128x32xf32, #tpu.memory_space<hbm>>) target_semaphore(%arg9 : memref<!tpu.dma_semaphore, #tpu.memory_space<semaphore_mem>>)
    }
    %scan3A_857 = arith.constant 24 : i32
    %dma_wait3A_858 = arith.constant 0 : i32
    %dma_wait3A_859 = arith.constant 0 : i32
    %dma_wait3A_860 = arith.constant 0 : i32
    %dma_wait3A_861 = arith.constant 0 : i32
    %dma_wait3A_862 = arith.constant 0 : i32
    %dma_wait3A_863 = arith.constant 0 : i32
    %dma_wait3A_864 = tpu.memref_slice %arg6[%dma_wait3A_860, %dma_wait3A_861, %dma_wait3A_862, %dma_wait3A_863] : memref<2x4x128x32xf32, #tpu.memory_space<vmem>> -> memref<1x1x128x32xf32, #tpu.memory_space<vmem>>
    %dma_wait3A_865 = tpu.memref_squeeze %dma_wait3A_864 : memref<1x1x128x32xf32, #tpu.memory_space<vmem>> -> memref<128x32xf32, #tpu.memory_space<vmem>>
    %dma_wait3A_866 = arith.constant 0 : i32
    %dma_wait3A_867 = tpu.memref_slice %arg5[%dma_wait3A_858, %dma_wait3A_859, %dma_wait3A_866] : memref<52x4x128xi32, #tpu.memory_space<vmem>> -> memref<1x1x128xi32, #tpu.memory_space<vmem>>
    %dma_wait3A_868 = tpu.memref_squeeze %dma_wait3A_867 : memref<1x1x128xi32, #tpu.memory_space<vmem>> -> memref<128xi32, #tpu.memory_space<vmem>>
    %dma_wait3A_869 = arith.constant 0 : i32
    %dma_wait3A_870 = arith.constant 0 : i32
    %dma_wait3A_871 = tpu.memref_slice %arg3[%dma_wait3A_869, %dma_wait3A_870] : memref<4000000x32xf32, #tpu.memory_space<hbm>> -> memref<4000000x32xf32, #tpu.memory_space<hbm>>
    tpu.wait_indirect_dma semaphore(%arg7 : memref<!tpu.dma_semaphore, #tpu.memory_space<semaphore_mem>>) src(%dma_wait3A_871 : memref<4000000x32xf32, #tpu.memory_space<hbm>>) dst(%dma_wait3A_865 : memref<128x32xf32, #tpu.memory_space<vmem>>)
    %dma_wait3A_872 = arith.constant 0 : i32
    %dma_wait3A_873 = arith.constant 1 : i32
    %dma_wait3A_874 = arith.constant 0 : i32
    %dma_wait3A_875 = arith.constant 1 : i32
    %dma_wait3A_876 = arith.constant 0 : i32
    %dma_wait3A_877 = arith.constant 0 : i32
    %dma_wait3A_878 = tpu.memref_slice %arg6[%dma_wait3A_874, %dma_wait3A_875, %dma_wait3A_876, %dma_wait3A_877] : memref<2x4x128x32xf32, #tpu.memory_space<vmem>> -> memref<1x1x128x32xf32, #tpu.memory_space<vmem>>
    %dma_wait3A_879 = tpu.memref_squeeze %dma_wait3A_878 : memref<1x1x128x32xf32, #tpu.memory_space<vmem>> -> memref<128x32xf32, #tpu.memory_space<vmem>>
    %dma_wait3A_880 = arith.constant 0 : i32
    %dma_wait3A_881 = tpu.memref_slice %arg5[%dma_wait3A_872, %dma_wait3A_873, %dma_wait3A_880] : memref<52x4x128xi32, #tpu.memory_space<vmem>> -> memref<1x1x128xi32, #tpu.memory_space<vmem>>
    %dma_wait3A_882 = tpu.memref_squeeze %dma_wait3A_881 : memref<1x1x128xi32, #tpu.memory_space<vmem>> -> memref<128xi32, #tpu.memory_space<vmem>>
    %dma_wait3A_883 = arith.constant 0 : i32
    %dma_wait3A_884 = arith.constant 0 : i32
    %dma_wait3A_885 = tpu.memref_slice %arg3[%dma_wait3A_883, %dma_wait3A_884] : memref<4000000x32xf32, #tpu.memory_space<hbm>> -> memref<4000000x32xf32, #tpu.memory_space<hbm>>
    tpu.wait_indirect_dma semaphore(%arg7 : memref<!tpu.dma_semaphore, #tpu.memory_space<semaphore_mem>>) src(%dma_wait3A_885 : memref<4000000x32xf32, #tpu.memory_space<hbm>>) dst(%dma_wait3A_879 : memref<128x32xf32, #tpu.memory_space<vmem>>)
    %dma_wait3A_886 = arith.constant 0 : i32
    %dma_wait3A_887 = arith.constant 2 : i32
    %dma_wait3A_888 = arith.constant 0 : i32
    %dma_wait3A_889 = arith.constant 2 : i32
    %dma_wait3A_890 = arith.constant 0 : i32
    %dma_wait3A_891 = arith.constant 0 : i32
    %dma_wait3A_892 = tpu.memref_slice %arg6[%dma_wait3A_888, %dma_wait3A_889, %dma_wait3A_890, %dma_wait3A_891] : memref<2x4x128x32xf32, #tpu.memory_space<vmem>> -> memref<1x1x128x32xf32, #tpu.memory_space<vmem>>
    %dma_wait3A_893 = tpu.memref_squeeze %dma_wait3A_892 : memref<1x1x128x32xf32, #tpu.memory_space<vmem>> -> memref<128x32xf32, #tpu.memory_space<vmem>>
    %dma_wait3A_894 = arith.constant 0 : i32
    %dma_wait3A_895 = tpu.memref_slice %arg5[%dma_wait3A_886, %dma_wait3A_887, %dma_wait3A_894] : memref<52x4x128xi32, #tpu.memory_space<vmem>> -> memref<1x1x128xi32, #tpu.memory_space<vmem>>
    %dma_wait3A_896 = tpu.memref_squeeze %dma_wait3A_895 : memref<1x1x128xi32, #tpu.memory_space<vmem>> -> memref<128xi32, #tpu.memory_space<vmem>>
    %dma_wait3A_897 = arith.constant 0 : i32
    %dma_wait3A_898 = arith.constant 0 : i32
    %dma_wait3A_899 = tpu.memref_slice %arg3[%dma_wait3A_897, %dma_wait3A_898] : memref<4000000x32xf32, #tpu.memory_space<hbm>> -> memref<4000000x32xf32, #tpu.memory_space<hbm>>
    tpu.wait_indirect_dma semaphore(%arg7 : memref<!tpu.dma_semaphore, #tpu.memory_space<semaphore_mem>>) src(%dma_wait3A_899 : memref<4000000x32xf32, #tpu.memory_space<hbm>>) dst(%dma_wait3A_893 : memref<128x32xf32, #tpu.memory_space<vmem>>)
    %dma_wait3A_900 = arith.constant 0 : i32
    %dma_wait3A_901 = arith.constant 3 : i32
    %dma_wait3A_902 = arith.constant 0 : i32
    %dma_wait3A_903 = arith.constant 3 : i32
    %dma_wait3A_904 = arith.constant 0 : i32
    %dma_wait3A_905 = arith.constant 0 : i32
    %dma_wait3A_906 = tpu.memref_slice %arg6[%dma_wait3A_902, %dma_wait3A_903, %dma_wait3A_904, %dma_wait3A_905] : memref<2x4x128x32xf32, #tpu.memory_space<vmem>> -> memref<1x1x128x32xf32, #tpu.memory_space<vmem>>
    %dma_wait3A_907 = tpu.memref_squeeze %dma_wait3A_906 : memref<1x1x128x32xf32, #tpu.memory_space<vmem>> -> memref<128x32xf32, #tpu.memory_space<vmem>>
    %dma_wait3A_908 = arith.constant 0 : i32
    %dma_wait3A_909 = tpu.memref_slice %arg5[%dma_wait3A_900, %dma_wait3A_901, %dma_wait3A_908] : memref<52x4x128xi32, #tpu.memory_space<vmem>> -> memref<1x1x128xi32, #tpu.memory_space<vmem>>
    %dma_wait3A_910 = tpu.memref_squeeze %dma_wait3A_909 : memref<1x1x128xi32, #tpu.memory_space<vmem>> -> memref<128xi32, #tpu.memory_space<vmem>>
    %dma_wait3A_911 = arith.constant 0 : i32
    %dma_wait3A_912 = arith.constant 0 : i32
    %dma_wait3A_913 = tpu.memref_slice %arg3[%dma_wait3A_911, %dma_wait3A_912] : memref<4000000x32xf32, #tpu.memory_space<hbm>> -> memref<4000000x32xf32, #tpu.memory_space<hbm>>
    tpu.wait_indirect_dma semaphore(%arg7 : memref<!tpu.dma_semaphore, #tpu.memory_space<semaphore_mem>>) src(%dma_wait3A_913 : memref<4000000x32xf32, #tpu.memory_space<hbm>>) dst(%dma_wait3A_907 : memref<128x32xf32, #tpu.memory_space<vmem>>)
    %dma_wait3A_914 = arith.constant 1 : i32
    %dma_wait3A_915 = arith.constant 49 : i32
    %dma_wait3A_916 = arith.constant 0 : i32
    %dma_wait3A_917 = arith.constant 0 : i32
    %dma_wait3A_918 = arith.constant 0 : i32
    %dma_wait3A_919 = tpu.memref_slice %arg6[%dma_wait3A_914, %dma_wait3A_916, %dma_wait3A_917, %dma_wait3A_918] : memref<2x4x128x32xf32, #tpu.memory_space<vmem>> -> memref<1x4x128x32xf32, #tpu.memory_space<vmem>>
    %dma_wait3A_920 = tpu.memref_squeeze %dma_wait3A_919 : memref<1x4x128x32xf32, #tpu.memory_space<vmem>> -> memref<4x128x32xf32, #tpu.memory_space<vmem>>
    %dma_wait3A_921 = arith.constant 0 : i32
    %dma_wait3A_922 = arith.constant 0 : i32
    %dma_wait3A_923 = tpu.memref_slice %arg4[%dma_wait3A_915, %mul3A_2, %dma_wait3A_921, %dma_wait3A_922] : memref<50x128x128x32xf32, #tpu.memory_space<hbm>> -> memref<1x4x128x32xf32, #tpu.memory_space<hbm>>
    %dma_wait3A_924 = tpu.memref_squeeze %dma_wait3A_923 : memref<1x4x128x32xf32, #tpu.memory_space<hbm>> -> memref<4x128x32xf32, #tpu.memory_space<hbm>>
    %dma_wait3A_925 = arith.constant 0 : i32
    %dma_wait3A_926 = arith.constant 0 : i32
    %dma_wait3A_927 = tpu.memref_slice %arg4[%dma_wait3A_915, %mul3A_2, %dma_wait3A_925, %dma_wait3A_926] : memref<50x128x128x32xf32, #tpu.memory_space<hbm>> -> memref<1x4x128x32xf32, #tpu.memory_space<hbm>>
    %dma_wait3A_928 = tpu.memref_squeeze %dma_wait3A_927 : memref<1x4x128x32xf32, #tpu.memory_space<hbm>> -> memref<4x128x32xf32, #tpu.memory_space<hbm>>
    %dma_wait3A_929 = arith.constant 0 : i32
    %dma_wait3A_930 = arith.constant 0 : i32
    %dma_wait3A_931 = arith.constant 0 : i32
    %dma_wait3A_932 = tpu.memref_slice %arg6[%dma_wait3A_914, %dma_wait3A_929, %dma_wait3A_930, %dma_wait3A_931] : memref<2x4x128x32xf32, #tpu.memory_space<vmem>> -> memref<1x4x128x32xf32, #tpu.memory_space<vmem>>
    %dma_wait3A_933 = tpu.memref_squeeze %dma_wait3A_932 : memref<1x4x128x32xf32, #tpu.memory_space<vmem>> -> memref<4x128x32xf32, #tpu.memory_space<vmem>>
    tpu.wait_dma2 semaphore(%arg9 : memref<!tpu.dma_semaphore, #tpu.memory_space<semaphore_mem>>) src(%dma_wait3A_933 : memref<4x128x32xf32, #tpu.memory_space<vmem>>) dst(%dma_wait3A_928 : memref<4x128x32xf32, #tpu.memory_space<hbm>>)
    return
  }
}

</mosaic_0001>

<sc_bundles>
// kernel: kernel.3.cloned.1.call-start
scs
__scs_entry_jumppad:
0x0: {  	(pc) =	sbr.rel $0x88, $3  }
0x1: {  	(tag) =	ssettag $0x0;
	lr =	simm.s32 $0x1  }
0x2: {  	[smem:$0x3F9F] =	sst lr;
	_ =	strace $0xD0000000  }
0x3: {  	_ = 	snop  }
0x4: {  	_ = 	snop  }
0x5: {  	_ = 	snop  }
0x6: {  	_ = 	snop  }
0x7: {  	_ = 	snop  }
__scs_overlays_trampoline_lowered:
0x8: {  	[smem:$0x3FAE] =	sst s0  }
0x9: {  	[smem:$0x3FAF] =	sst s1  }
0xa: {  	[smem:$0x3FB0] =	sst s2  }
0xb: {  	[smem:$0x3FB1] =	sst s3  }
0xc: {  	[smem:$0x3FB2] =	sst s4  }
0xd: {  	[smem:$0x3FB3] =	sst s5  }
0xe: {  	[smem:$0x3FB4] =	sst s6  }
0xf: {  	[smem:$0x3FB5] =	sst s7  }
0x10: {  	[smem:$0x3FB6] =	sst s8  }
0x11: {  	[smem:$0x3FB7] =	sst s9;
	s0 =	simm.s32 @!p0 $0x0  }
0x12: {  	s1 =	sld [smem:$0x3F9D];
	s0 =	simm.s32 @p0 $0x1  }
0x13: {  	[smem:$0x3FB8] =	sst s0;
	s0 =	simm.s32 @!p1 $0x0  }
0x14: {  	s2 =	sld [smem:$0x3F9C];
	s0 =	simm.s32 @p1 $0x1  }
0x15: {  	[smem:$0x3FB9] =	sst s0;
	s0 =	simm.s32 @!p2 $0x0  }
0x16: {  	s3 =	sld [smem:$0x3FDB];
	s0 =	simm.s32 @p2 $0x1  }
0x17: {  	s4 =	simm.s32 $0x1BF5;
	[smem:$0x3FBB] =	sst s0  }
0x18: {  	s0 =	sld [smem:$0x3F9E];
	_ =	swait.ge [sflag:s4], $0x0  }
0x19: {  	s7 =	sld [smem:$0x3F9F]  }
0x1a: {  	s8 =	sadd.s32 $0xFFFFE003, lr  }
0x1b: {  	s9 =	sadd.s32 $0xFFFFFEF7, lr;
	s5 =	simm.s32 $0xFFFFFFFF;
	p2 =	slt.u32 s8, $0xFFFFF086  }
0x1c: {  	p1 =	slt.u32 s9, $0xF7A;
	s5 =	simm.s32 @!p2 $0x0  }
0x1d: {  	s5 =	simm.s32 @p1 $0x1;
	p0 =	seq.s32 s7, s2  }
0x1e: {  	s7 =	smul.u32 @!p0 $0xF7A, s2;
	p2 =	seq.s32 @!p0 s5, $0x0  }
0x1f: {  	s9 =	smul.u32 $0xF7A, s1;
	s8 =	simm.s32 @!p0 $0x1BF5;
	p2 =	por !p2, p0  }
0x20: {  	[sflag:s8] =	ssyncset.s32 @!p0 $0xFFFFF086;
	s6 =	sadd.s32 @!p0 s3, s7;
	s7 =	simm.s32 @!p0 $0x108  }
0x21: {  	s3 =	sadd.s32 s3, s9;
	s6 =	sadd.s32 @!p0 $0x88, s6;
	s7 =	simm.s32 @p2 $0x1082  }
0x22: {  	[simem:s7], [sflag:s8] =	dma.local @!p0 [hbm:s6], $0xF7A  }
0x23: {  	s9 =	sor.u32 $0xD0000000, s2;
	s6 =	simm.s32 $0x108;
	_ =	swait.ge @!p0 [sflag:s8], $0x0  }
0x24: {  	s3 =	sadd.s32 $0x88, s3;
	s6 =	simm.s32 @!p1 $0x1082;
	[sflag:s4] =	ssyncset.s32 $0xFFFFF086  }
0x25: {  	[simem:s6], [sflag:s4] =	dma.local [hbm:s3], $0xF7A  }
0x26: {  	[smem:$0x3F9F] =	sst s1;
	(tag) =	ssettag s2;
	_ =	strace s9  }
0x27: {  	s1 =	sld [smem:$0x3FAF]  }
0x28: {  	s2 =	sld [smem:$0x3FB0]  }
0x29: {  	s4 =	sld [smem:$0x3FB2]  }
0x2a: {  	p0 =	seq.s32 s5, $0x0;
	s5 =	sld [smem:$0x3FB3]  }
0x2b: {  	s6 =	sld [smem:$0x3FB4]  }
0x2c: {  	s7 =	sld [smem:$0x3FB5]  }
0x2d: {  	s3 =	simm.s32 $0x108;
	s8 =	sld [smem:$0x3FB6]  }
0x2e: {  	s3 =	simm.s32 @!p0 $0x1082;
	s9 =	sld [smem:$0x3FB7]  }
0x2f: {  	lr =	sadd.s32 s0, s3;
	s0 =	sld [smem:$0x3FAE]  }
0x30: {  	s3 =	sld [smem:$0x3FB1]  }
0x31: {  	[smem:$0x3FBA] =	sst s10  }
0x32: {  	s10 =	sld [smem:$0x3FB8];
	_ =	sdelay $0x3  }
0x33: {  	p0 =	seq.s32 s10, $0x1;
	s10 =	sld [smem:$0x3FBA];
	_ =	sdelay $0x3  }
0x34: {  	[smem:$0x3FBA] =	sst s10  }
0x35: {  	s10 =	sld [smem:$0x3FB9];
	_ =	sdelay $0x3  }
0x36: {  	p1 =	seq.s32 s10, $0x1;
	s10 =	sld [smem:$0x3FBA];
	_ =	sdelay $0x3  }
0x37: {  	[smem:$0x3FBA] =	sst s10  }
0x38: {  	s10 =	sld [smem:$0x3FBB]  }
0x39: {  	_ = 	snop;
	(pc) =	sbr.ind lr, $3  }
0x3a: {  	_ = 	snop  }
0x3b: {  	_ = 	snop  }
0x3c: {  	p2 =	seq.s32 s10, $0x1;
	s10 =	sld [smem:$0x3FBA]  }
0x3d: {  	_ =	shalt  }
0x3e: {  	_ =	shalt  }
0x3f: {  	_ =	shalt  }
0x40: {  	_ =	shalt  }
0x41: {  	_ =	shalt  }
0x42: {  	_ =	shalt  }
0x43: {  	_ =	shalt  }
0x44: {  	_ =	shalt  }
0x45: {  	_ =	shalt  }
0x46: {  	_ =	shalt  }
0x47: {  	_ =	shalt  }
0x48: {  	_ =	shalt  }
0x49: {  	_ =	shalt  }
0x4a: {  	_ =	shalt  }
0x4b: {  	_ =	shalt  }
0x4c: {  	_ =	shalt  }
0x4d: {  	_ =	shalt  }
0x4e: {  	_ =	shalt  }
0x4f: {  	_ =	shalt  }
0x50: {  	_ =	shalt  }
0x51: {  	_ =	shalt  }
0x52: {  	_ =	shalt  }
0x53: {  	_ =	shalt  }
0x54: {  	_ =	shalt  }
0x55: {  	_ =	shalt  }
0x56: {  	_ =	shalt  }
0x57: {  	_ =	shalt  }
0x58: {  	_ =	shalt  }
0x59: {  	_ =	shalt  }
0x5a: {  	_ =	shalt  }
0x5b: {  	_ =	shalt  }
0x5c: {  	_ =	shalt  }
0x5d: {  	_ =	shalt  }
0x5e: {  	_ =	shalt  }
0x5f: {  	_ =	shalt  }
0x60: {  	_ =	shalt  }
0x61: {  	_ =	shalt  }
0x62: {  	_ =	shalt  }
0x63: {  	_ =	shalt  }
0x64: {  	_ =	shalt  }
0x65: {  	_ =	shalt  }
0x66: {  	_ =	shalt  }
0x67: {  	_ =	shalt  }
0x68: {  	_ =	shalt  }
0x69: {  	_ =	shalt  }
0x6a: {  	_ =	shalt  }
0x6b: {  	_ =	shalt  }
0x6c: {  	_ =	shalt  }
0x6d: {  	_ =	shalt  }
0x6e: {  	_ =	shalt  }
0x6f: {  	_ =	shalt  }
0x70: {  	_ =	shalt  }
0x71: {  	_ =	shalt  }
0x72: {  	_ =	shalt  }
0x73: {  	_ =	shalt  }
0x74: {  	_ =	shalt  }
0x75: {  	_ =	shalt  }
0x76: {  	_ =	shalt  }
0x77: {  	_ =	shalt  }
0x78: {  	_ =	shalt  }
0x79: {  	_ =	shalt  }
0x7a: {  	_ =	shalt  }
0x7b: {  	_ =	shalt  }
0x7c: {  	_ =	shalt  }
0x7d: {  	_ =	shalt  }
0x7e: {  	_ =	shalt  }
0x7f: {  	_ =	shalt  }
0x80: {  	_ =	shalt  }
0x81: {  	_ =	shalt  }
0x82: {  	_ =	shalt  }
0x83: {  	_ =	shalt  }
0x84: {  	_ =	shalt  }
0x85: {  	_ =	shalt  }
0x86: {  	_ =	shalt  }
0x87: {  	_ =	shalt  }
.Lfunc_end0:
.L_simem_size_0:
called_computation.2_lowered:
.L_overlay_start_0:
0x88: {  	s2 =	sld [smem:$0x3FD9]  }
0x89: {  	s3 =	sld [smem:$0x3FFE];
	_ =	sdelay $0x1  }
0x8a: {  	s1 =	srdreg.scid  }
0x8b: {  	s0 =	sand.u32 $0x1, s1  }
0x8c: {  	s17 =	sshll.u32 s0, $0xA;
	s2 =	sadd.s32 s3, s2  }
0x8d: {  	s2 =	sadd.s32 s2, s17  }
0x8e: {  	[smem:$0x3FC6] =	sst s2  }
0x8f: {  	_ = 	snop  }
0x90: {  	s2 =	sld [smem:$0x3FD0];
	(tm) =	ssettm $0x1  }
0x91: {  	s18 =	sld [smem:$0x3FFB];
	_ =	sdelay $0x3  }
0x92: {  	_ =	strace s18  }
0x93: {  	s3 =	sld [smem:$0x3FFC];
	_ =	sdelay $0x3  }
0x94: {  	_ =	strace s3  }
0x95: {  	s3 =	sld [smem:$0x3FFD];
	_ =	sdelay $0x3  }
0x96: {  	_ =	strace s3  }
0x97: {  	_ =	strace $0x8FFFFFFF  }
0x98: {  	s19 =	sld [smem:$0x3FDB];
	_ =	sdelay $0x1  }
0x99: {  	s4 =	simm.s32 $_scs_section_size  }
0x9a: {  	s5 =	simm.s32 $_size__tile_overlayer_lowered;
	s6 =	simm.s32 $_tile_overlayer_lowered  }
0x9b: {  	s22 =	simm.s32 $0x1BFF;
	s21 =	sshll.u32 s6, $0x1;
	s3 =	sadd.s32 s4, s19  }
0x9c: {  	s7 =	simm.s32 $0x0;
	s20 =	sshll.u32 s5, $0x1;
	s5 =	sadd.s32 s21, s3  }
0x9d: {  	[timem:s7], [sflag:s22] =	dma.local [hbm:s5], s20  }
0x9e: {  	_ =	swait.ge [sflag:s22], s20  }
0x9f: {  	s4 =	ssub.s32 $0x0, s20;
	[sflag:s22] =	ssyncset.done $0x0  }
0xa0: {  	[sflag:s22] =	ssyncadd.s32 s4;
	_ =	sdelay $0x1  }
0xa1: {  	s23 =	simm.s32 $0x1B8B  }
0xa2: {  	_ =	swait.ge [sflag:s23], $0x1  }
0xa3: {  	[sflag:s23] =	ssyncset.done $0x0  }
0xa4: {  	s25 =	simm.s32 $0x1B8E;
	s24 =	sld [smem:$0x3FFE];
	[sflag:s23] =	ssyncadd.s32 $0xFFFFFFFF  }
0xa5: {  	s26 =	simm.s32 $execute0_lowered;
	[smem:$0x3FD2] =	sst s25  }
0xa6: {  	s5 =	sshll.u32 s26, $0x1;
	_ =	strace $0x80000049;
	[dreg:$0x1] =	wrdreg $0xFFFFFFFF  }
0xa7: {  	s28 =	simm.s32 $_size_execute0_lowered;
	s3 =	sadd.s32 s3, s5;
	[dreg:$0x0] =	wrdreg $0x0  }
0xa8: {  	s5 =	sshll.u32 s28, $0x1;
	[dreg:$0x2] =	wrdreg s3  }
0xa9: {  	[dreg:$0x3] =	wrdreg s5  }
0xaa: {  	[dreg:$0x4] =	wrdreg $0xC0  }
0xab: {  	_ =	task [dreg:s7], $0x5FFFF  }
0xac: {  	[dreg:$0x1] =	wrdreg $0xFFFFFFFF  }
0xad: {  	[dreg:$0x0] =	wrdreg $0x60  }
0xae: {  	[dreg:$0x2] =	wrdreg s24  }
0xaf: {  	[dreg:$0x3] =	wrdreg s2  }
0xb0: {  	[dreg:$0x4] =	wrdreg $0x9  }
0xb1: {  	_ =	task.clear_ibuf [dreg:s7], $0x5FFFF;
	_ =	strace $0x90000049  }
0xb2: {  	s29 =	simm.s32 $0x9;
	_ =	strace $0x8000004B  }
0xb3: {  	_ =	swait.ge [sflag:s29], $0x1  }
0xb4: {  	[sflag:s29] =	ssyncadd.s32 $0xFFFFFFFF  }
0xb5: {  	_ =	strace $0x9000004B  }
0xb6: {  	_ =	sfence  }
0xb7: {  	s30 =	sld [smem:$0x0];
	_ =	sdelay $0x2  }
0xb8: {  	s31 =	sshll.u32 s1, $0xD;
	s1 =	sshrl.u32 s1, $0x2  }
0xb9: {  	s3 =	sand.u32 $0x4000, s31;
	s1 =	sadd.s32 s1, s30  }
0xba: {  	s0 =	sor.u32 s3, s0;
	s1 =	sshll.u32 s1, $0x11  }
0xbb: {  	s0 =	sor.u32 s1, s0  }
0xbc: {  	s0 =	sadd.s32 $0x8F2B, s0  }
0xbd: {  	[sflag:s0] =	ssyncadd.remote.s32 $0x1  }
0xbe: {  	_ =	sfence.sel $0xFFFF  }
0xbf: {  	[dreg:$0x0] =	wrdreg $0xFFFFFFFF;
	(pc) =	sbr.abs _section_cstart, $3  }
0xc0: {  	[dreg:$0x1] =	wrdreg $0xFFFFFFFF  }
0xc1: {  	_ =	task.clear_ibuf [dreg:s7], $0x2FFFF;
	_ =	strace $0x9FFFFFFF  }
0xc2: {  	(tm) =	ssettm $0x7FFFFFFF  }
0xc3: {  	_ =	shalt  }
tec
execute0_lowered:
.L_overlay_start_1:
0x0: {  	(tag) =	ssettag $0x1  }
0x1: {  	s0 =	rddreg [dreg:$0x0]  }
0x2: {  	s2 =	rddreg [dreg:$0x1]  }
0x3: {  	s1 =	srdreg.scid;
	s8 =	stileid.u32;
	s3 =	simm.s32 $0x0  }
0x4: {  	s11 =	simm.s32 $0x200;
	s13 =	simm.s32 $0x4;
	s14 =	simm.s32 $0x80  }
0x5: {  	s15 =	simm.s32 $0x6800;
	s16 =	simm.s32 $0x7800;
	s18 =	simm.s32 $0x8800  }
0x6: {  	s20 =	simm.s32 $0x9800;
	s21 =	simm.s32 $0x1;
	s22 =	simm.s32 $0xA800  }
0x7: {  	s24 =	simm.s32 $0xB800;
	s29 =	simm.s32 $0xD800;
	s30 =	simm.s32 $0x2  }
0x8: {  	s17 =	simm.s32 $0x3;
	s19 =	simm.s32 $0x0;
	s1 =	sand.u32 $0x1, s1  }
0x9: {  	s4 =	sshll.u32 s8, $0x3;
	[smem:$0x7FF] =	sst s3;
	s8 =	sshll.u32 s8, $0xF  }
0xa: {  	s5 =	sshll.u32 s1, $0x2;
	_ =	strace $0x8000004A;
	s25 =	ssub.s32 $0x2, s1  }
0xb: {  	s1 =	sshll.u32 s1, $0xE;
	s5 =	sor.u32 s5, s4;
	s7 =	sshrl.u32 s25, $0x1  }
0xc: {  	s1 =	sor.u32 s1, s8;
	s4 =	sshll.u32 s5, $0x4;
	s26 =	sshll.u32 s5, $0x9  }
0xd: {  	s9 =	sor.u32 $0x180000, s1;
	s6 =	sadd.s32 s4, s0;
	s4 =	sadd.s32 $0xF5C200, s0  }
0xe: {  	s0 =	ssub.s32 s25, s7;
	s28 =	sshrl.u32 s9, $0x3;
	s9 =	sor.u32 $0x100000, s1  }
0xf: {  	s5 =	sadd.s32 $0xF43200, s6;
	s6 =	sadd.s32 s2, s26;
	s8 =	smax.u32 s0, $0x1  }
0x10: {  	v0 =	vimm.s32 $0x0;
	s31 =	sadd.s32 s28, s2;
	s26 =	simm.s32 $0xC800;
	s7 =	sadd.s32 $0x10000, s6  }
.LBB2_1:
0x11: {  	s0 =	simm.s32 $0x4000  }
0x12: {  	[tilespmem:s3], [sflag:$0x4] =	stream.strided.gather [hbm4b:s5+s11], $0x6400, s0, s11, $0x38;
	[tilespmem:$0xE800] =	vst v63  }
0x13: {  	_ =	swait.ge [sflag:s13], $0x6400  }
0x14: {  	[sflag:s13] =	ssyncset.done $0x0  }
0x15: {  	[sflag:s13] =	ssyncadd.s32 $0xFFFF9C00  }
0x16: {  	[tilespmem:$0x6400] =	vst v0  }
0x17: {  	[tilespmem:$0x6410] =	vst v0  }
0x18: {  	[tilespmem:$0x6420] =	vst v0  }
0x19: {  	[tilespmem:$0x6430] =	vst v0  }
0x1a: {  	[tilespmem:$0x6440] =	vst v0  }
0x1b: {  	[tilespmem:$0x6450] =	vst v0  }
0x1c: {  	[tilespmem:$0x6460] =	vst v0  }
0x1d: {  	[tilespmem:$0x6470] =	vst v0  }
0x1e: {  	[tilespmem:$0x6480] =	vst v0  }
0x1f: {  	[tilespmem:$0x6490] =	vst v0  }
0x20: {  	[tilespmem:$0x64A0] =	vst v0  }
0x21: {  	[tilespmem:$0x64B0] =	vst v0  }
0x22: {  	[tilespmem:$0x64C0] =	vst v0  }
0x23: {  	[tilespmem:$0x64D0] =	vst v0  }
0x24: {  	[tilespmem:$0x64E0] =	vst v0  }
0x25: {  	[tilespmem:$0x64F0] =	vst v0  }
0x26: {  	[tilespmem:$0x6500] =	vst v0  }
0x27: {  	[tilespmem:$0x6510] =	vst v0  }
0x28: {  	[tilespmem:$0x6520] =	vst v0  }
0x29: {  	[tilespmem:$0x6530] =	vst v0  }
0x2a: {  	[tilespmem:$0x6540] =	vst v0  }
0x2b: {  	[tilespmem:$0x6550] =	vst v0  }
0x2c: {  	[tilespmem:$0x6560] =	vst v0  }
0x2d: {  	[tilespmem:$0x6570] =	vst v0  }
0x2e: {  	[tilespmem:$0x6580] =	vst v0  }
0x2f: {  	[tilespmem:$0x6590] =	vst v0  }
0x30: {  	[tilespmem:$0x65A0] =	vst v0  }
0x31: {  	[tilespmem:$0x65B0] =	vst v0  }
0x32: {  	[tilespmem:$0x65C0] =	vst v0  }
0x33: {  	[tilespmem:$0x65D0] =	vst v0  }
0x34: {  	[tilespmem:$0x65E0] =	vst v0  }
0x35: {  	[tilespmem:$0x65F0] =	vst v0  }
0x36: {  	[tilespmem:$0x6600] =	vst v0  }
0x37: {  	[tilespmem:$0x6610] =	vst v0  }
0x38: {  	[tilespmem:$0x6620] =	vst v0  }
0x39: {  	[tilespmem:$0x6630] =	vst v0  }
0x3a: {  	[tilespmem:$0x6640] =	vst v0  }
0x3b: {  	[tilespmem:$0x6650] =	vst v0  }
0x3c: {  	[tilespmem:$0x6660] =	vst v0  }
0x3d: {  	[tilespmem:$0x6670] =	vst v0  }
0x3e: {  	[tilespmem:$0x6680] =	vst v0  }
0x3f: {  	[tilespmem:$0x6690] =	vst v0  }
0x40: {  	[tilespmem:$0x66A0] =	vst v0  }
0x41: {  	[tilespmem:$0x66B0] =	vst v0  }
0x42: {  	[tilespmem:$0x66C0] =	vst v0  }
0x43: {  	[tilespmem:$0x66D0] =	vst v0  }
0x44: {  	[tilespmem:$0x66E0] =	vst v0  }
0x45: {  	[tilespmem:$0x66F0] =	vst v0  }
0x46: {  	[tilespmem:$0x6700] =	vst v0  }
0x47: {  	[tilespmem:$0x6710] =	vst v0  }
0x48: {  	[tilespmem:$0x6720] =	vst v0  }
0x49: {  	[tilespmem:$0x6730] =	vst v0  }
0x4a: {  	[tilespmem:$0x6740] =	vst v0  }
0x4b: {  	[tilespmem:$0x6750] =	vst v0  }
0x4c: {  	[tilespmem:$0x6760] =	vst v0  }
0x4d: {  	[tilespmem:$0x6770] =	vst v0  }
0x4e: {  	[tilespmem:$0x6780] =	vst v0  }
0x4f: {  	[tilespmem:$0x6790] =	vst v0  }
0x50: {  	[tilespmem:$0x67A0] =	vst v0  }
0x51: {  	[tilespmem:$0x67B0] =	vst v0  }
0x52: {  	[tilespmem:$0x67C0] =	vst v0  }
0x53: {  	[tilespmem:$0x67D0] =	vst v0  }
0x54: {  	[tilespmem:$0x67E0] =	vst v0  }
0x55: {  	[tilespmem:$0x67F0] =	vst v0  }
0x56: {  	[tilespmem:s15], [sflag:$0x1] =	stream.indirect.gather [hbm4b:s4+s14], $0x20, s3, s14, $0xb8;
	[tilespmem:$0xE800] =	vst v63  }
0x57: {  	_ = 	snop  }
0x58: {  	[tilespmem:s16], [sflag:$0x1] =	stream.indirect.gather [hbm4b:s4+s14], $0x20, s14, s14, $0xb8;
	[tilespmem:$0xE800] =	vst v63  }
0x59: {  	s12 =	simm.s32 $0x100  }
0x5a: {  	[tilespmem:s18], [sflag:$0x1] =	stream.indirect.gather [hbm4b:s4+s14], $0x20, s12, s14, $0xb8;
	[tilespmem:$0xE800] =	vst v63  }
0x5b: {  	s23 =	simm.s32 $0x180  }
0x5c: {  	[tilespmem:s20], [sflag:$0x1] =	stream.indirect.gather [hbm4b:s4+s14], $0x20, s23, s14, $0xb8;
	[tilespmem:$0xE800] =	vst v63  }
0x5d: {  	_ =	swait.ge [sflag:s21], $0x1000  }
0x5e: {  	[sflag:s21] =	ssyncset.done $0x0  }
0x5f: {  	[sflag:s21] =	ssyncadd.s32 $0xFFFFF000  }
0x60: {  	_ =	swait.ge [sflag:s21], $0x1000  }
0x61: {  	[sflag:s21] =	ssyncset.done $0x0  }
0x62: {  	[sflag:s21] =	ssyncadd.s32 $0xFFFFF000  }
0x63: {  	_ =	swait.ge [sflag:s21], $0x1000  }
0x64: {  	[sflag:s21] =	ssyncset.done $0x0  }
0x65: {  	[sflag:s21] =	ssyncadd.s32 $0xFFFFF000  }
0x66: {  	_ =	swait.ge [sflag:s21], $0x1000  }
0x67: {  	[sflag:s21] =	ssyncset.done $0x0  }
0x68: {  	[sflag:s21] =	ssyncadd.s32 $0xFFFFF000  }
0x69: {  	[tilespmem:s22], [sflag:$0x1] =	stream.indirect.gather [hbm4b:s4+s14], $0x20, s11, s14, $0xb8;
	[tilespmem:$0xE800] =	vst v63  }
0x6a: {  	s25 =	simm.s32 $0x280  }
0x6b: {  	[tilespmem:s24], [sflag:$0x1] =	stream.indirect.gather [hbm4b:s4+s14], $0x20, s25, s14, $0xb8;
	[tilespmem:$0xE800] =	vst v63  }
0x6c: {  	s1 =	simm.s32 $0x300  }
0x6d: {  	[tilespmem:s26], [sflag:$0x1] =	stream.indirect.gather [hbm4b:s4+s14], $0x20, s1, s14, $0xb8;
	[tilespmem:$0xE800] =	vst v63  }
0x6e: {  	s10 =	simm.s32 $0x380  }
0x6f: {  	[tilespmem:s29], [sflag:$0x1] =	stream.indirect.gather [hbm4b:s4+s14], $0x20, s10, s14, $0xb8;
	[tilespmem:$0xE800] =	vst v63  }
0x70: {  	_ = 	snop  }
0x71: {  	[hbm4b:s6+s3] =	stream.linear.scatter [tilespmem:s15], [sflag:$0x2], $0x4000, $0x38;
	[tilespmem:$0xE800] =	vst v63  }
0x72: {  	_ =	swait.ge [sflag:s21], $0x1000  }
0x73: {  	[sflag:s21] =	ssyncset.done $0x0  }
0x74: {  	[sflag:s21] =	ssyncadd.s32 $0xFFFFF000  }
0x75: {  	_ =	swait.ge [sflag:s21], $0x1000  }
0x76: {  	[sflag:s21] =	ssyncset.done $0x0  }
0x77: {  	[sflag:s21] =	ssyncadd.s32 $0xFFFFF000  }
0x78: {  	_ =	swait.ge [sflag:s21], $0x1000  }
0x79: {  	[sflag:s21] =	ssyncset.done $0x0  }
0x7a: {  	[sflag:s21] =	ssyncadd.s32 $0xFFFFF000  }
0x7b: {  	_ =	swait.ge [sflag:s21], $0x1000  }
0x7c: {  	[sflag:s21] =	ssyncset.done $0x0  }
0x7d: {  	[sflag:s21] =	ssyncadd.s32 $0xFFFFF000  }
0x7e: {  	_ =	swait.ge [sflag:s30], $0x4000  }
0x7f: {  	[sflag:s30] =	ssyncset.done $0x0  }
0x80: {  	s12 =	simm.s32 $0x400;
	[sflag:s30] =	ssyncadd.s32 $0xFFFFC000  }
0x81: {  	[tilespmem:s15], [sflag:$0x1] =	stream.indirect.gather [hbm4b:s4+s14], $0x20, s12, s14, $0xb8;
	[tilespmem:$0xE800] =	vst v63  }
0x82: {  	s23 =	simm.s32 $0x480  }
0x83: {  	[tilespmem:s16], [sflag:$0x1] =	stream.indirect.gather [hbm4b:s4+s14], $0x20, s23, s14, $0xb8;
	[tilespmem:$0xE800] =	vst v63  }
0x84: {  	s25 =	simm.s32 $0x500  }
0x85: {  	[tilespmem:s18], [sflag:$0x1] =	stream.indirect.gather [hbm4b:s4+s14], $0x20, s25, s14, $0xb8;
	[tilespmem:$0xE800] =	vst v63  }
0x86: {  	s1 =	simm.s32 $0x580  }
0x87: {  	[tilespmem:s20], [sflag:$0x1] =	stream.indirect.gather [hbm4b:s4+s14], $0x20, s1, s14, $0xb8;
	[tilespmem:$0xE800] =	vst v63  }
0x88: {  	_ = 	snop  }
0x89: {  	[hbm4b:s7+s3] =	stream.linear.scatter [tilespmem:s22], [sflag:$0x3], $0x4000, $0x38;
	[tilespmem:$0xE800] =	vst v63  }
0x8a: {  	_ =	swait.ge [sflag:s21], $0x1000  }
0x8b: {  	[sflag:s21] =	ssyncset.done $0x0  }
0x8c: {  	[sflag:s21] =	ssyncadd.s32 $0xFFFFF000  }
0x8d: {  	_ =	swait.ge [sflag:s21], $0x1000  }
0x8e: {  	[sflag:s21] =	ssyncset.done $0x0  }
0x8f: {  	[sflag:s21] =	ssyncadd.s32 $0xFFFFF000  }
0x90: {  	_ =	swait.ge [sflag:s21], $0x1000  }
0x91: {  	[sflag:s21] =	ssyncset.done $0x0  }
0x92: {  	[sflag:s21] =	ssyncadd.s32 $0xFFFFF000  }
0x93: {  	_ =	swait.ge [sflag:s21], $0x1000  }
0x94: {  	[sflag:s21] =	ssyncset.done $0x0  }
0x95: {  	[sflag:s21] =	ssyncadd.s32 $0xFFFFF000  }
0x96: {  	_ =	swait.ge [sflag:s17], $0x4000  }
0x97: {  	[sflag:s17] =	ssyncset.done $0x0  }
0x98: {  	s10 =	simm.s32 $0x600;
	[sflag:s17] =	ssyncadd.s32 $0xFFFFC000  }
0x99: {  	[tilespmem:s22], [sflag:$0x1] =	stream.indirect.gather [hbm4b:s4+s14], $0x20, s10, s14, $0xb8;
	[tilespmem:$0xE800] =	vst v63  }
0x9a: {  	s12 =	simm.s32 $0x680  }
0x9b: {  	[tilespmem:s24], [sflag:$0x1] =	stream.indirect.gather [hbm4b:s4+s14], $0x20, s12, s14, $0xb8;
	[tilespmem:$0xE800] =	vst v63  }
0x9c: {  	s23 =	simm.s32 $0x700  }
0x9d: {  	[tilespmem:s26], [sflag:$0x1] =	stream.indirect.gather [hbm4b:s4+s14], $0x20, s23, s14, $0xb8;
	[tilespmem:$0xE800] =	vst v63  }
0x9e: {  	s25 =	simm.s32 $0x780;
	s10 =	sshrl.u32 s9, $0x3  }
0x9f: {  	[tilespmem:s29], [sflag:$0x1] =	stream.indirect.gather [hbm4b:s4+s14], $0x20, s25, s14, $0xb8;
	[tilespmem:$0xE800] =	vst v63  }
0xa0: {  	s1 =	sadd.s32 s2, s10  }
0xa1: {  	[hbm4b:s1+s3] =	stream.linear.scatter [tilespmem:s15], [sflag:$0x2], $0x4000, $0x38;
	[tilespmem:$0xE800] =	vst v63  }
0xa2: {  	_ =	swait.ge [sflag:s21], $0x1000  }
0xa3: {  	[sflag:s21] =	ssyncset.done $0x0  }
0xa4: {  	[sflag:s21] =	ssyncadd.s32 $0xFFFFF000  }
0xa5: {  	_ =	swait.ge [sflag:s21], $0x1000  }
0xa6: {  	[sflag:s21] =	ssyncset.done $0x0  }
0xa7: {  	[sflag:s21] =	ssyncadd.s32 $0xFFFFF000  }
0xa8: {  	_ =	swait.ge [sflag:s21], $0x1000  }
0xa9: {  	[sflag:s21] =	ssyncset.done $0x0  }
0xaa: {  	[sflag:s21] =	ssyncadd.s32 $0xFFFFF000  }
0xab: {  	_ =	swait.ge [sflag:s21], $0x1000  }
0xac: {  	[sflag:s21] =	ssyncset.done $0x0  }
0xad: {  	[sflag:s21] =	ssyncadd.s32 $0xFFFFF000  }
0xae: {  	_ =	swait.ge [sflag:s30], $0x4000  }
0xaf: {  	[sflag:s30] =	ssyncset.done $0x0  }
0xb0: {  	s10 =	simm.s32 $0x800;
	[sflag:s30] =	ssyncadd.s32 $0xFFFFC000  }
0xb1: {  	[tilespmem:s15], [sflag:$0x1] =	stream.indirect.gather [hbm4b:s4+s14], $0x20, s10, s14, $0xb8;
	[tilespmem:$0xE800] =	vst v63  }
0xb2: {  	s12 =	simm.s32 $0x880  }
0xb3: {  	[tilespmem:s16], [sflag:$0x1] =	stream.indirect.gather [hbm4b:s4+s14], $0x20, s12, s14, $0xb8;
	[tilespmem:$0xE800] =	vst v63  }
0xb4: {  	s23 =	simm.s32 $0x900  }
0xb5: {  	[tilespmem:s18], [sflag:$0x1] =	stream.indirect.gather [hbm4b:s4+s14], $0x20, s23, s14, $0xb8;
	[tilespmem:$0xE800] =	vst v63  }
0xb6: {  	s28 =	sadd.s32 $0x20000, s31;
	s25 =	simm.s32 $0x980  }
0xb7: {  	[tilespmem:s20], [sflag:$0x1] =	stream.indirect.gather [hbm4b:s4+s14], $0x20, s25, s14, $0xb8;
	[tilespmem:$0xE800] =	vst v63  }
0xb8: {  	s10 =	smov.u32 s31;
	s23 =	simm.s32 $0x1000;
	s25 =	sadd.s32 $0x100000, s9  }
.LBB2_2:
0xb9: {  	[hbm4b:s10+s3] =	stream.linear.scatter [tilespmem:s22], [sflag:$0x3], $0x4000, $0x38;
	[tilespmem:$0xE800] =	vst v63  }
0xba: {  	s0 =	smov.u32 s23;
	s10 =	smov.u32 s28  }
0xbb: {  	p0 =	sne.s32 s23, $0x17000;
	s23 =	sadd.s32 $0x1000, s23;
	_ =	swait.ge [sflag:s21], $0x1000  }
0xbc: {  	[sflag:s21] =	ssyncset.done $0x0  }
0xbd: {  	[sflag:s21] =	ssyncadd.s32 $0xFFFFF000  }
0xbe: {  	_ =	swait.ge [sflag:s21], $0x1000  }
0xbf: {  	[sflag:s21] =	ssyncset.done $0x0  }
0xc0: {  	[sflag:s21] =	ssyncadd.s32 $0xFFFFF000  }
0xc1: {  	_ =	swait.ge [sflag:s21], $0x1000  }
0xc2: {  	[sflag:s21] =	ssyncset.done $0x0  }
0xc3: {  	[sflag:s21] =	ssyncadd.s32 $0xFFFFF000  }
0xc4: {  	_ =	swait.ge [sflag:s21], $0x1000  }
0xc5: {  	[sflag:s21] =	ssyncset.done $0x0  }
0xc6: {  	[sflag:s21] =	ssyncadd.s32 $0xFFFFF000  }
0xc7: {  	_ =	swait.ge [sflag:s17], $0x4000  }
0xc8: {  	s0 =	sshra.s32 s0, $0x2;
	[sflag:s17] =	ssyncset.done $0x0  }
0xc9: {  	s1 =	sadd.s32 $0x600, s0;
	[sflag:s17] =	ssyncadd.s32 $0xFFFFC000  }
0xca: {  	[tilespmem:s22], [sflag:$0x1] =	stream.indirect.gather [hbm4b:s4+s14], $0x20, s1, s14, $0xb8;
	[tilespmem:$0xE800] =	vst v63  }
0xcb: {  	s1 =	sadd.s32 $0x680, s0  }
0xcc: {  	[tilespmem:s24], [sflag:$0x1] =	stream.indirect.gather [hbm4b:s4+s14], $0x20, s1, s14, $0xb8;
	[tilespmem:$0xE800] =	vst v63  }
0xcd: {  	s1 =	sadd.s32 $0x700, s0  }
0xce: {  	[tilespmem:s26], [sflag:$0x1] =	stream.indirect.gather [hbm4b:s4+s14], $0x20, s1, s14, $0xb8;
	[tilespmem:$0xE800] =	vst v63  }
0xcf: {  	s12 =	sshrl.u32 s25, $0x3;
	s1 =	sadd.s32 $0x780, s0  }
0xd0: {  	[tilespmem:s29], [sflag:$0x1] =	stream.indirect.gather [hbm4b:s4+s14], $0x20, s1, s14, $0xb8;
	[tilespmem:$0xE800] =	vst v63  }
0xd1: {  	s1 =	sadd.s32 s2, s12  }
0xd2: {  	[hbm4b:s1+s3] =	stream.linear.scatter [tilespmem:s15], [sflag:$0x2], $0x4000, $0x38;
	[tilespmem:$0xE800] =	vst v63  }
0xd3: {  	_ =	swait.ge [sflag:s21], $0x1000  }
0xd4: {  	[sflag:s21] =	ssyncset.done $0x0  }
0xd5: {  	[sflag:s21] =	ssyncadd.s32 $0xFFFFF000  }
0xd6: {  	_ =	swait.ge [sflag:s21], $0x1000  }
0xd7: {  	[sflag:s21] =	ssyncset.done $0x0  }
0xd8: {  	[sflag:s21] =	ssyncadd.s32 $0xFFFFF000  }
0xd9: {  	_ =	swait.ge [sflag:s21], $0x1000  }
0xda: {  	[sflag:s21] =	ssyncset.done $0x0  }
0xdb: {  	[sflag:s21] =	ssyncadd.s32 $0xFFFFF000  }
0xdc: {  	_ =	swait.ge [sflag:s21], $0x1000  }
0xdd: {  	[sflag:s21] =	ssyncset.done $0x0  }
0xde: {  	[sflag:s21] =	ssyncadd.s32 $0xFFFFF000  }
0xdf: {  	_ =	swait.ge [sflag:s30], $0x4000  }
0xe0: {  	[sflag:s30] =	ssyncset.done $0x0  }
0xe1: {  	s1 =	sadd.s32 $0x800, s0;
	[sflag:s30] =	ssyncadd.s32 $0xFFFFC000  }
0xe2: {  	[tilespmem:s15], [sflag:$0x1] =	stream.indirect.gather [hbm4b:s4+s14], $0x20, s1, s14, $0xb8;
	[tilespmem:$0xE800] =	vst v63  }
0xe3: {  	s1 =	sadd.s32 $0x880, s0  }
0xe4: {  	[tilespmem:s16], [sflag:$0x1] =	stream.indirect.gather [hbm4b:s4+s14], $0x20, s1, s14, $0xb8;
	[tilespmem:$0xE800] =	vst v63  }
.Ltmp0:
0xe5: {  	s1 =	sadd.s32 $0x900, s0;
	(pc) =	sbr.rel @p0 .LBB2_2-.Ltmp0, $4  }
0xe6: {  	[tilespmem:s18], [sflag:$0x1] =	stream.indirect.gather [hbm4b:s4+s14], $0x20, s1, s14, $0xb8;
	[tilespmem:$0xE800] =	vst v63  }
0xe7: {  	s0 =	sadd.s32 $0x980, s0  }
0xe8: {  	[tilespmem:s20], [sflag:$0x1] =	stream.indirect.gather [hbm4b:s4+s14], $0x20, s0, s14, $0xb8;
	[tilespmem:$0xE800] =	vst v63  }
0xe9: {  	s25 =	sadd.s32 $0x100000, s25;
	s28 =	sadd.s32 $0x20000, s28  }
0xea: {  	[hbm4b:s10+s3] =	stream.linear.scatter [tilespmem:s22], [sflag:$0x3], $0x4000, $0x38;
	[tilespmem:$0xE800] =	vst v63  }
0xeb: {  	_ =	swait.ge [sflag:s21], $0x1000  }
0xec: {  	[sflag:s21] =	ssyncset.done $0x0  }
0xed: {  	[sflag:s21] =	ssyncadd.s32 $0xFFFFF000  }
0xee: {  	_ =	swait.ge [sflag:s21], $0x1000  }
0xef: {  	[sflag:s21] =	ssyncset.done $0x0  }
0xf0: {  	[sflag:s21] =	ssyncadd.s32 $0xFFFFF000  }
0xf1: {  	_ =	swait.ge [sflag:s21], $0x1000  }
0xf2: {  	[sflag:s21] =	ssyncset.done $0x0  }
0xf3: {  	s19 =	sadd.s32 $0x1, s19;
	[sflag:s21] =	ssyncadd.s32 $0xFFFFF000  }
0xf4: {  	p0 =	sne.s32 s19, s8;
	_ =	swait.ge [sflag:s21], $0x1000  }
.Ltmp1:
0xf5: {  	[sflag:s21] =	ssyncset.done $0x0;
	(pc) =	sbr.rel @p0 .LBB2_1-.Ltmp1, $4  }
0xf6: {  	[sflag:s21] =	ssyncadd.s32 $0xFFFFF000  }
0xf7: {  	_ =	swait.ge [sflag:s17], $0x4000  }
0xf8: {  	[sflag:s17] =	ssyncset.done $0x0  }
0xf9: {  	[sflag:s17] =	ssyncadd.s32 $0xFFFFC000  }
0xfa: {  	_ =	sfence.sel $0x180000  }
0xfb: {  	[bflag:$0x0] =	sbarrier.arrive $0xFFFF  }
0xfc: {  	_ =	strace $0x9000004A  }
0xfd: {  	s0 =	stileid.u32;
	[bflag:$0x2] =	sbarrier.arrive $0xFFFF  }
0xfe: {  	p0 =	sne.s32 s0, $0x0;
	s0 =	rddreg [dreg:$0x2]  }
0xff: {  	s0 =	sadd.s32 @!p0 $0x100000, s0  }
0x100: {  	[sflag:s0] =	ssyncadd.tile.s32 @!p0 $0x1;
	_ =	shalt  }
.Lfunc_end2:
_tile_overlayer_lowered:
.L_overlay_start_2:
0x101: {  	(tag) =	ssettag $0x2  }
0x102: {  	s0 =	rddreg [dreg:$0x0];
	s2 =	stileid.u32  }
0x103: {  	s1 =	rddreg [dreg:$0x1];
	p0 =	sne.s32 s2, $0x0  }
0x104: {  	s3 =	rddreg [dreg:$0x2];
	[bflag:$0x3] =	sbarrier.arrive $0xFFFF;
	s2 =	simm.s32 @!p0 $0x1C04  }
0x105: {  	[timem:s3], [sflag:s2] =	dma.local @!p0 [hbm:s0], s1  }
0x106: {  	s0 =	simm.s32 @!p0 $0x4  }
0x107: {  	_ =	swait.ge @!p0 [sflag:s0], s1  }
0x108: {  	s1 =	ssub.s32 @!p0 $0x0, s1;
	[sflag:s0] =	ssyncset.done @!p0 $0x0  }
0x109: {  	[sflag:s0] =	ssyncadd.s32 @!p0 s1  }
0x10a: {  	[bflag:$0x3] =	sbarrier.arrive $0xFFFF  }
0x10b: {  	_ =	shalt  }

// kernel: sparse-core-data-format-call.1.cloned.1.call-start
scs
called_computation.1_lowered:
.L_overlay_start_0:
0x0: {  	s2 =	sld [smem:$0x3FD9]  }
0x1: {  	s3 =	sld [smem:$0x3FFE];
	_ =	sdelay $0x1  }
0x2: {  	s1 =	srdreg.scid  }
0x3: {  	s0 =	sand.u32 $0x1, s1  }
0x4: {  	s18 =	sshll.u32 s0, $0xA;
	s2 =	sadd.s32 s3, s2  }
0x5: {  	s2 =	sadd.s32 s2, s18  }
0x6: {  	[smem:$0x3FC6] =	sst s2  }
0x7: {  	_ = 	snop  }
0x8: {  	s2 =	sld [smem:$0x3FC8];
	(tm) =	ssettm $0x1  }
0x9: {  	s19 =	sld [smem:$0x3FFB];
	_ =	sdelay $0x3  }
0xa: {  	_ =	strace s19  }
0xb: {  	s3 =	sld [smem:$0x3FFC];
	_ =	sdelay $0x3  }
0xc: {  	_ =	strace s3  }
0xd: {  	s3 =	sld [smem:$0x3FFD];
	_ =	sdelay $0x3  }
0xe: {  	_ =	strace s3  }
0xf: {  	_ =	strace $0x8FFFFFFF  }
0x10: {  	s20 =	sld [smem:$0x3FDB];
	_ =	sdelay $0x1  }
0x11: {  	s4 =	simm.s32 $_scs_section_size  }
0x12: {  	s5 =	simm.s32 $_size__tile_overlayer_lowered;
	s6 =	simm.s32 $_tile_overlayer_lowered  }
0x13: {  	s23 =	simm.s32 $0x1BFF;
	s22 =	sshll.u32 s6, $0x1;
	s3 =	sadd.s32 s4, s20  }
0x14: {  	s7 =	simm.s32 $0x0;
	s21 =	sshll.u32 s5, $0x1;
	s5 =	sadd.s32 s22, s3  }
0x15: {  	[timem:s7], [sflag:s23] =	dma.local [hbm:s5], s21  }
0x16: {  	_ =	swait.ge [sflag:s23], s21  }
0x17: {  	s4 =	ssub.s32 $0x0, s21;
	[sflag:s23] =	ssyncset.done $0x0  }
0x18: {  	[sflag:s23] =	ssyncadd.s32 s4;
	_ =	sdelay $0x1  }
0x19: {  	s24 =	simm.s32 $0x1B8B  }
0x1a: {  	_ =	swait.ge [sflag:s24], $0x1  }
0x1b: {  	[sflag:s24] =	ssyncset.done $0x0  }
0x1c: {  	s26 =	simm.s32 $0x1B8E;
	s25 =	sld [smem:$0x3FFE];
	[sflag:s24] =	ssyncadd.s32 $0xFFFFFFFF  }
0x1d: {  	s27 =	simm.s32 $execute0_lowered;
	[smem:$0x3FD2] =	sst s26  }
0x1e: {  	s5 =	sshll.u32 s27, $0x1;
	_ =	strace $0x80000046;
	[dreg:$0x1] =	wrdreg $0xFFFFFFFF  }
0x1f: {  	s28 =	simm.s32 $_size_execute0_lowered;
	s3 =	sadd.s32 s3, s5;
	[dreg:$0x0] =	wrdreg $0x0  }
0x20: {  	s5 =	sshll.u32 s28, $0x1;
	[dreg:$0x2] =	wrdreg s3  }
0x21: {  	[dreg:$0x3] =	wrdreg s5  }
0x22: {  	[dreg:$0x4] =	wrdreg $0xC0  }
0x23: {  	_ =	task [dreg:s7], $0x5FFFF  }
0x24: {  	[dreg:$0x1] =	wrdreg $0xFFFFFFFF  }
0x25: {  	[dreg:$0x0] =	wrdreg $0x60  }
0x26: {  	[dreg:$0x2] =	wrdreg s2  }
0x27: {  	[dreg:$0x3] =	wrdreg s25  }
0x28: {  	[dreg:$0x4] =	wrdreg $0x9  }
0x29: {  	_ =	task.clear_ibuf [dreg:s7], $0x5FFFF;
	_ =	strace $0x90000046  }
0x2a: {  	s29 =	simm.s32 $0x9;
	_ =	strace $0x80000048  }
0x2b: {  	_ =	swait.ge [sflag:s29], $0x1  }
0x2c: {  	[sflag:s29] =	ssyncadd.s32 $0xFFFFFFFF  }
0x2d: {  	_ =	strace $0x90000048  }
0x2e: {  	_ =	sfence  }
0x2f: {  	s30 =	sld [smem:$0x0];
	_ =	sdelay $0x2  }
0x30: {  	s31 =	sshll.u32 s1, $0xD;
	s1 =	sshrl.u32 s1, $0x2  }
0x31: {  	s3 =	sand.u32 $0x4000, s31;
	s1 =	sadd.s32 s1, s30  }
0x32: {  	s0 =	sor.u32 s3, s0;
	s1 =	sshll.u32 s1, $0x11  }
0x33: {  	s0 =	sor.u32 s1, s0  }
0x34: {  	s0 =	sadd.s32 $0x8F2B, s0  }
0x35: {  	[sflag:s0] =	ssyncadd.remote.s32 $0x1  }
0x36: {  	_ =	sfence.sel $0xFFFF  }
0x37: {  	[dreg:$0x0] =	wrdreg $0xFFFFFFFF;
	(pc) =	sbr.abs _section_cstart, $3  }
0x38: {  	[dreg:$0x1] =	wrdreg $0xFFFFFFFF  }
0x39: {  	_ =	task.clear_ibuf [dreg:s7], $0x2FFFF;
	_ =	strace $0x9FFFFFFF  }
0x3a: {  	(tm) =	ssettm $0x7FFFFFFF  }
0x3b: {  	_ =	shalt  }
tec
execute0_lowered:
.L_overlay_start_1:
0x0: {  	(tag) =	ssettag $0x1  }
0x1: {  	s0 =	srdreg.scid;
	s2 =	rddreg [dreg:$0x0]  }
0x2: {  	s5 =	rddreg [dreg:$0x1];
	s1 =	stileid.u32  }
0x3: {  	s4 =	simm.s32 $0x1;
	s6 =	simm.s32 $0x2;
	s15 =	simm.s32 $0x0  }
0x4: {  	p0 =	por $0x0, $0x0;
	s8 =	simm.s32 $0x80;
	s0 =	sshll.u32 s0, $0x4  }
0x5: {  	s14 =	simm.s32 $0x0;
	s9 =	simm.s32 $0x0;
	s3 =	sand.u32 $0x10, s0  }
.Ltmp0:
0x6: {  	s10 =	simm.s32 $0x0;
	s3 =	sor.u32 s1, s3;
	(pc) =	sbr.rel .LBB1_1-.Ltmp0, $4  }
0x7: {  	s0 =	rddreg [dreg:$0x2];
	_ =	strace $0x80000047;
	s3 =	sshll.u32 s3, $0x7  }
0x8: {  	s12 =	simm.s32 $0x0;
	[sflag:s4] =	ssyncpa.u1 $0x0;
	s7 =	ssub.s32 $0xF4200, s3  }
0x9: {  	s13 =	simm.s32 $0x0;
	[sflag:s6] =	ssyncpa.u1 $0x0;
	s6 =	sshrl.u32 s7, $0xC  }
0xa: {  	s5 =	sadd.s32 $0xE00, s5;
	s11 =	smov.u32 s3;
	s7 =	sadd.s32 $0x2, s6  }
.LBB1_5:
0xb: {  	p1 =	slt.u32 s13, $0x2  }
0xc: {  	s17 =	smov.u32 s15;
	p2 =	sgt.s32 @!p1 s15, $0xF41C0;
	s16 =	sshra.s32 @!p1 s15, $0x1F  }
0xd: {  	p3 =	sgt.s32 @!p1 s14, $0x60;
	s18 =	sshra.s32 @!p1 s14, $0x1F;
	p2 =	por !p2, p1  }
0xe: {  	s15 =	sand.u32 @!p1 s16, s15;
	p3 =	por !p3, p1;
	s16 =	smov.u32 s14  }
0xf: {  	s14 =	sand.u32 @!p1 s18, s14;
	s17 =	simm.s32 @p2 $0xF41C0;
	s16 =	simm.s32 @p3 $0x60  }
0x10: {  	s15 =	ssub.s32 @!p1 s17, s15;
	s14 =	ssub.s32 @!p1 s16, s14  }
0x11: {  	s18 =	smov.u32 s12;
	s16 =	sadd.s32 @!p1 $0xFFF0BE40, s15;
	s17 =	sadd.s32 @!p1 $0xFFFFFFA0, s14  }
0x12: {  	s15 =	ssub.s32 @!p1 $0xF4240, s15;
	p2 =	sgt.s32 @!p1 s16, $0x7F;
	p3 =	sgt.s32 @!p1 s17, $0x1F  }
0x13: {  	s14 =	ssub.s32 @!p1 $0x80, s14;
	p2 =	por !p2, p1;
	p3 =	por !p3, p1  }
0x14: {  	s16 =	sadd.s32 $0x1000, s11;
	s15 =	simm.s32 @!p2 $0x0;
	s14 =	simm.s32 @!p3 $0x0  }
0x15: {  	p2 =	sgt.s32 s16, $0xF423F;
	s14 =	smul.u32 @!p1 s14, s15;
	s15 =	sadd.s32 $0x20, s12  }
0x16: {  	s18 =	smov.u32 @p2 s15  }
0x17: {  	s16 =	smov.u32 @p2 s3;
	p2 =	sgt.s32 s18, $0x1F  }
0x18: {  	s18 =	simm.s32 @p2 $0x0;
	p2 =	sne.s32 s13, s7  }
.Ltmp1:
0x19: {  	p0 =	por !p0, !p0;
	s17 =	simm.s32 @!p1 $0x2;
	(pc) =	sbr.rel @!p2 .LBB1_6-.Ltmp1, $4  }
0x1a: {  	s15 =	smov.u32 s9;
	s9 =	smov.u32 s11;
	s14 =	sand.u32 @!p1 $0x3FFFFFFF, s14  }
0x1b: {  	s11 =	smov.u32 s16;
	_ =	swait.ge @!p1 [sflag:s17], s14;
	s19 =	ssub.s32 @!p1 $0x0, s14  }
0x1c: {  	s14 =	smov.u32 s10;
	s13 =	sadd.s32 $0x1, s13;
	[sflag:s17] =	ssyncset.done @!p1 $0x0  }
0x1d: {  	s10 =	smov.u32 s12;
	s12 =	smov.u32 s18;
	[sflag:s17] =	ssyncadd.s32 @!p1 s19  }
.LBB1_1:
0x1e: {  	p1 =	sgt.u32 s13, s6  }
0x1f: {  	s16 =	sshrl.u32 @!p1 s12, $0x3  }
0x20: {  	s17 =	sshll.u32 @!p1 s11, $0x3;
	s16 =	smul.u32 @!p1 $0x7A1400, s16  }
0x21: {  	s18 =	sshll.u32 @!p1 s12, $0x7;
	s17 =	sand.u32 @!p1 $0xFFFFFC00, s17  }
0x22: {  	s16 =	sadd.s32 @!p1 s16, s17;
	s17 =	sand.u32 @!p1 $0x380, s18  }
0x23: {  	s18 =	sand.u32 @!p1 $0x7F, s11;
	s16 =	sor.u32 @!p1 s17, s16  }
0x24: {  	s17 =	sor.u32 @!p1 s18, s16  }
0x25: {  	s18 =	smulhi.u32 @!p1 $0x218D6287, s17;
	_ =	sdelay $0x1  }
0x26: {  	s16 =	smulhi.u32 @!p1 $0x218D6287, s16;
	s18 =	sshrl.u32 @!p1 s18, $0x11  }
0x27: {  	s18 =	smul.u32 @!p1 $0xF4280, s18  }
0x28: {  	s19 =	sxor.u32 @!p1 $0xFFFFFFFF, s13;
	s16 =	sshrl.u32 @!p1 s16, $0x11  }
0x29: {  	s19 =	sshll.u32 @!p1 s19, $0xC;
	s16 =	sand.u32 @!p1 $0x1F, s16;
	s17 =	ssub.s32 @!p1 s17, s18  }
0x2a: {  	s16 =	smul.u32 @!p1 $0x1E850, s16;
	s18 =	sshrl.u32 @!p1 s17, $0x3;
	s17 =	sand.u32 @!p1 $0x7, s17  }
0x2b: {  	s19 =	sand.u32 @!p1 $0x1000, s19;
	s18 =	sadd.s32 @!p1 s2, s18;
	s17 =	sshll.u32 @!p1 s17, $0x12  }
0x2c: {  	s16 =	sadd.s32 @!p1 s16, s18;
	s17 =	sor.u32 @!p1 $0x400, s17;
	s18 =	simm.s32 @!p1 $0x7A1400  }
0x2d: {  	[tilespmem:s19], [sflag:$0x1] =	stream.strided.gather @!p1 [hbm4b:s16+s17], $0x1000, s18, s17, $0x38;
	[tilespmem:$0x4100] =	vst v63  }
0x2e: {  	p1 =	seq.s32 s13, $0x0  }
0x2f: {  	p2 =	sge.u32 @!p1 s13, s7  }
0x30: {  	p1 =	por p1, p2  }
.Ltmp2:
0x31: {  	_ = 	snop;
	(pc) =	sbr.rel @p1 .LBB1_5-.Ltmp2, $1  }
0x32: {  	_ =	sdelay $0x3  }
0x33: {  	s16 =	simm.s32 $0x1  }
0x34: {  	_ =	swait.ge [sflag:s4], $0x1000;
	s16 =	simm.s32 @!p0 $0x0  }
0x35: {  	[sflag:s4] =	ssyncset.done $0x0;
	s17 =	sshll.u32 s16, $0xC  }
0x36: {  	[sflag:s4] =	ssyncadd.s32 $0xFFFFF000;
	s17 =	sor.u32 $0x40, s17  }
0x37: {  	s16 =	smul.u32 $0x4200, s16;
	v0 =	vld [tilespmem:s17+$0x30]  }
0x38: {  	v1 =	vld [tilespmem:s17+$0xFFFFFFD0]  }
0x39: {  	s16 =	sshrl.u32 s16, $0x2;
	v5 =	vld [tilespmem:s17+$0xFFFFFFE0]  }
0x3a: {  	v6 =	vld [tilespmem:s17+$0xFFFFFFF0];
	s19 =	sor.u32 $0x2000, s16  }
0x3b: {  	s31 =	sand.u32 $0x1, s13;
	v4 =	vld [tilespmem:s17+$0x0];
	s18 =	sadd.s32 $0x0, s19  }
0x3c: {  	v3 =	vld [tilespmem:s17+$0x10];
	s16 =	smul.u32 $0x4200, s31;
	[tilespmem:s18+$0xE70 ss:$0x21] =	vst.msk $0xffff, v0  }
0x3d: {  	v2 =	vld [tilespmem:s17+$0x20];
	[tilespmem:s18+$0x210 ss:$0x21] =	vst.msk $0xffff, v1  }
0x3e: {  	s16 =	sshrl.u32 s16, $0x2;
	v1 =	vld [tilespmem:s17+$0xFFFFFFC0];
	[tilespmem:s18+$0x420 ss:$0x21] =	vst.msk $0xffff, v5;
	s17 =	sadd.s32 $0x80, s17  }
0x3f: {  	s20 =	simm.s32 $0x4;
	s21 =	simm.s32 $0x8;
	s16 =	sor.u32 $0x2000, s16;
	[tilespmem:s18+$0x630 ss:$0x21] =	vst.msk $0xffff, v6;
	v0 =	vld [tilespmem:s17+$0x30]  }
.LBB1_3:
0x40: {  	p1 =	sne.s32 s21, $0x7C;
	v5 =	vld [tilespmem:s17+$0xFFFFFFD0];
	[tilespmem:s18+$0x840 ss:$0x21] =	vst.msk $0xffff, v4  }
0x41: {  	v6 =	vld [tilespmem:s17+$0xFFFFFFE0];
	[tilespmem:s18+$0xA50 ss:$0x21] =	vst.msk $0xffff, v3  }
0x42: {  	s22 =	sshra.s32 s20, $0x2;
	s20 =	smov.u32 s21;
	v7 =	vld [tilespmem:s17+$0xFFFFFFF0];
	[tilespmem:s18+$0xC60 ss:$0x21] =	vst.msk $0xffff, v2  }
.Ltmp3:
0x43: {  	v4 =	vld [tilespmem:s17+$0x0];
	[tilespmem:s18+$0x0 ss:$0x21] =	vst.msk $0xffff, v1;
	s18 =	sadd.s32 s22, s19;
	(pc) =	sbr.rel @p1 .LBB1_3-.Ltmp3, $4  }
0x44: {  	v3 =	vld [tilespmem:s17+$0x10];
	[tilespmem:s18+$0xE70 ss:$0x21] =	vst.msk $0xffff, v0  }
0x45: {  	[tilespmem:s18+$0x210 ss:$0x21] =	vst.msk $0xffff, v5;
	v2 =	vld [tilespmem:s17+$0x20]  }
0x46: {  	v1 =	vld [tilespmem:s17+$0xFFFFFFC0];
	[tilespmem:s18+$0x420 ss:$0x21] =	vst.msk $0xffff, v6;
	s17 =	sadd.s32 $0x80, s17  }
0x47: {  	s21 =	sadd.s32 $0x4, s21;
	v0 =	vld [tilespmem:s17+$0x30];
	[tilespmem:s18+$0x630 ss:$0x21] =	vst.msk $0xffff, v7  }
0x48: {  	s21 =	sshll.u32 s9, $0x7;
	s22 =	sshll.u32 s10, $0x3;
	s20 =	sshra.s32 s20, $0x2  }
0x49: {  	p1 =	sgt.s32 s9, $0xF41C0;
	s30 =	sshra.s32 s9, $0x1F;
	s25 =	sshra.s32 s10, $0x1F  }
0x4a: {  	v5 =	vld [tilespmem:s17+$0xFFFFFFD0];
	s28 =	sshrl.u32 s10, $0x3;
	s23 =	sand.u32 $0xFFFFFC00, s21;
	s22 =	sand.u32 $0xFFFFFC00, s22  }
0x4b: {  	[tilespmem:s18+$0x840 ss:$0x21] =	vst.msk $0xffff, v4;
	v58 =	vld [tilespmem:s17+$0xFFFFFFE0];
	s21 =	sand.u32 $0x380, s21;
	s19 =	sadd.s32 s20, s19;
	s22 =	sadd.s32 s22, s23  }
0x4c: {  	v59 =	vld [tilespmem:s17+$0xFFFFFFF0];
	[tilespmem:s18+$0xA50 ss:$0x21] =	vst.msk $0xffff, v3;
	s29 =	sor.u32 s21, s22;
	s21 =	smov.u32 s9;
	s22 =	sand.u32 s30, s9  }
0x4d: {  	v60 =	vld [tilespmem:s17+$0x0];
	[tilespmem:s18+$0xC60 ss:$0x21] =	vst.msk $0xffff, v2;
	s30 =	sand.u32 $0x7, s10;
	s20 =	sshrl.u32 s29, $0x7;
	s21 =	simm.s32 @!p1 $0xF41C0  }
0x4e: {  	v61 =	vld [tilespmem:s17+$0x10];
	[tilespmem:s18+$0x0 ss:$0x21] =	vst.msk $0xffff, v1;
	p1 =	sgt.s32 s10, $0x60;
	s24 =	ssub.s32 s21, s22;
	s21 =	smov.u32 s10  }
0x4f: {  	v62 =	vld [tilespmem:s17+$0x20];
	[tilespmem:s19+$0xE70 ss:$0x21] =	vst.msk $0xffff, v0;
	s31 =	smulhi.u32 $0x218DEF5, s20;
	s22 =	sand.u32 s25, s10;
	s21 =	simm.s32 @!p1 $0x60  }
0x50: {  	v63 =	vld [tilespmem:s17+$0xFFFFFFC0];
	[tilespmem:s19+$0x210 ss:$0x21] =	vst.msk $0xffff, v5;
	s26 =	sadd.s32 $0xFFF0BE40, s24;
	s17 =	ssub.s32 $0xF4240, s24;
	s21 =	ssub.s32 s21, s22  }
0x51: {  	[tilespmem:s19+$0x420 ss:$0x21] =	vst.msk $0xffff, v58;
	s23 =	sshrl.u32 s31, $0xD;
	p1 =	sgt.s32 s26, $0x7F;
	s27 =	sadd.s32 $0xFFFFFFA0, s21  }
0x52: {  	[tilespmem:s19+$0x630 ss:$0x21] =	vst.msk $0xffff, v59;
	s23 =	smul.u32 $0xF4240, s23;
	s18 =	ssub.s32 $0x80, s21;
	p2 =	sgt.s32 s27, $0x1F  }
.Ltmp4:
0x53: {  	[tilespmem:s19+$0x840 ss:$0x21] =	vst.msk $0xffff, v60;
	s17 =	simm.s32 @p1 $0x0;
	s18 =	simm.s32 @p2 $0x0;
	(pc) =	sbr.rel .LBB1_5-.Ltmp4, $4  }
0x54: {  	s29 =	sand.u32 $0xF, s28;
	[tilespmem:s19+$0xA50 ss:$0x21] =	vst.msk $0xffff, v61;
	s20 =	ssub.s32 s20, s23;
	s17 =	smul.u32 s18, s17  }
0x55: {  	[tilespmem:s19+$0xC60 ss:$0x21] =	vst.msk $0xffff, v62;
	s21 =	sshll.u32 s30, $0x12;
	s20 =	sshll.u32 s20, $0x4;
	s18 =	sadd.s32 s5, s29  }
0x56: {  	[tilespmem:s19+$0x0 ss:$0x21] =	vst.msk $0xffff, v63;
	s31 =	sor.u32 $0x20, s21;
	s18 =	sadd.s32 s20, s18;
	s17 =	sand.u32 $0x3FFFFFFF, s17  }
0x57: {  	[hbm4b:s18+s31] =	stream.strided.scatter [tilespmem:s16], [sflag:$0x2], s17, s8, s31, $0x10;
	[tilespmem:$0x4100] =	vst v63  }
.LBB1_6:
0x58: {  	_ =	sfence.sel $0x180000  }
0x59: {  	s2 =	simm.s32 $0x1;
	[bflag:$0x0] =	sbarrier.arrive $0xFFFF  }
0x5a: {  	s31 =	simm.s32 $0x2;
	[sflag:s2] =	ssyncpa.u1 $0x1  }
0x5b: {  	[sflag:s31] =	ssyncpa.u1 $0x1  }
0x5c: {  	p0 =	sne.s32 s1, $0x0;
	_ =	strace $0x90000047  }
0x5d: {  	s0 =	sadd.s32 @!p0 $0x100000, s0;
	[bflag:$0x2] =	sbarrier.arrive $0xFFFF  }
0x5e: {  	[sflag:s0] =	ssyncadd.tile.s32 @!p0 $0x1;
	_ =	shalt  }
.Lfunc_end1:
_tile_overlayer_lowered:
.L_overlay_start_2:
0x5f: {  	(tag) =	ssettag $0x2  }
0x60: {  	s0 =	rddreg [dreg:$0x0];
	s2 =	stileid.u32  }
0x61: {  	s1 =	rddreg [dreg:$0x1];
	p0 =	sne.s32 s2, $0x0  }
0x62: {  	s3 =	rddreg [dreg:$0x2];
	[bflag:$0x3] =	sbarrier.arrive $0xFFFF;
	s2 =	simm.s32 @!p0 $0x1C01  }
0x63: {  	[timem:s3], [sflag:s2] =	dma.local @!p0 [hbm:s0], s1  }
0x64: {  	s0 =	simm.s32 @!p0 $0x1  }
0x65: {  	_ =	swait.ge @!p0 [sflag:s0], s1  }
0x66: {  	s1 =	ssub.s32 @!p0 $0x0, s1;
	[sflag:s0] =	ssyncset.done @!p0 $0x0  }
0x67: {  	[sflag:s0] =	ssyncadd.s32 @!p0 s1  }
0x68: {  	[bflag:$0x3] =	sbarrier.arrive $0xFFFF  }
0x69: {  	_ =	shalt  }

// kernel: sparse-core-data-format-call.cloned.1.call-start
scs
called_computation_lowered:
.L_overlay_start_0:
0x0: {  	s2 =	sld [smem:$0x3FD9]  }
0x1: {  	s3 =	sld [smem:$0x3FFE];
	_ =	sdelay $0x1  }
0x2: {  	s1 =	srdreg.scid  }
0x3: {  	s0 =	sand.u32 $0x1, s1  }
0x4: {  	s18 =	sshll.u32 s0, $0xA;
	s2 =	sadd.s32 s3, s2  }
0x5: {  	s2 =	sadd.s32 s2, s18  }
0x6: {  	[smem:$0x3FC6] =	sst s2  }
0x7: {  	_ = 	snop  }
0x8: {  	s2 =	sld [smem:$0x3FD0];
	(tm) =	ssettm $0x1  }
0x9: {  	s19 =	sld [smem:$0x3FFB];
	_ =	sdelay $0x3  }
0xa: {  	_ =	strace s19  }
0xb: {  	s3 =	sld [smem:$0x3FFC];
	_ =	sdelay $0x3  }
0xc: {  	_ =	strace s3  }
0xd: {  	s3 =	sld [smem:$0x3FFD];
	_ =	sdelay $0x3  }
0xe: {  	_ =	strace s3  }
0xf: {  	_ =	strace $0x8FFFFFFF  }
0x10: {  	s20 =	sld [smem:$0x3FDB];
	_ =	sdelay $0x1  }
0x11: {  	s4 =	simm.s32 $_scs_section_size  }
0x12: {  	s5 =	simm.s32 $_size__tile_overlayer_lowered;
	s6 =	simm.s32 $_tile_overlayer_lowered  }
0x13: {  	s23 =	simm.s32 $0x1BFF;
	s22 =	sshll.u32 s6, $0x1;
	s3 =	sadd.s32 s4, s20  }
0x14: {  	s7 =	simm.s32 $0x0;
	s21 =	sshll.u32 s5, $0x1;
	s5 =	sadd.s32 s22, s3  }
0x15: {  	[timem:s7], [sflag:s23] =	dma.local [hbm:s5], s21  }
0x16: {  	_ =	swait.ge [sflag:s23], s21  }
0x17: {  	s4 =	ssub.s32 $0x0, s21;
	[sflag:s23] =	ssyncset.done $0x0  }
0x18: {  	[sflag:s23] =	ssyncadd.s32 s4;
	_ =	sdelay $0x1  }
0x19: {  	s24 =	simm.s32 $0x1B8B  }
0x1a: {  	_ =	swait.ge [sflag:s24], $0x1  }
0x1b: {  	[sflag:s24] =	ssyncset.done $0x0  }
0x1c: {  	s26 =	simm.s32 $0x1B8E;
	s25 =	sld [smem:$0x3FFE];
	[sflag:s24] =	ssyncadd.s32 $0xFFFFFFFF  }
0x1d: {  	s27 =	simm.s32 $execute0_lowered;
	[smem:$0x3FD2] =	sst s26  }
0x1e: {  	s5 =	sshll.u32 s27, $0x1;
	_ =	strace $0x8000004C;
	[dreg:$0x1] =	wrdreg $0xFFFFFFFF  }
0x1f: {  	s28 =	simm.s32 $_size_execute0_lowered;
	s3 =	sadd.s32 s3, s5;
	[dreg:$0x0] =	wrdreg $0x0  }
0x20: {  	s5 =	sshll.u32 s28, $0x1;
	[dreg:$0x2] =	wrdreg s3  }
0x21: {  	[dreg:$0x3] =	wrdreg s5  }
0x22: {  	[dreg:$0x4] =	wrdreg $0xC0  }
0x23: {  	_ =	task [dreg:s7], $0x5FFFF  }
0x24: {  	[dreg:$0x1] =	wrdreg $0xFFFFFFFF  }
0x25: {  	[dreg:$0x0] =	wrdreg $0x60  }
0x26: {  	[dreg:$0x2] =	wrdreg s25  }
0x27: {  	[dreg:$0x3] =	wrdreg s2  }
0x28: {  	[dreg:$0x4] =	wrdreg $0x9  }
0x29: {  	_ =	task.clear_ibuf [dreg:s7], $0x5FFFF;
	_ =	strace $0x9000004C  }
0x2a: {  	s29 =	simm.s32 $0x9;
	_ =	strace $0x8000004E  }
0x2b: {  	_ =	swait.ge [sflag:s29], $0x1  }
0x2c: {  	[sflag:s29] =	ssyncadd.s32 $0xFFFFFFFF  }
0x2d: {  	_ =	strace $0x9000004E  }
0x2e: {  	_ =	sfence  }
0x2f: {  	s30 =	sld [smem:$0x0];
	_ =	sdelay $0x2  }
0x30: {  	s31 =	sshll.u32 s1, $0xD;
	s1 =	sshrl.u32 s1, $0x2  }
0x31: {  	s3 =	sand.u32 $0x4000, s31;
	s1 =	sadd.s32 s1, s30  }
0x32: {  	s0 =	sor.u32 s3, s0;
	s1 =	sshll.u32 s1, $0x11  }
0x33: {  	s0 =	sor.u32 s1, s0  }
0x34: {  	s0 =	sadd.s32 $0x8F2B, s0  }
0x35: {  	[sflag:s0] =	ssyncadd.remote.s32 $0x1  }
0x36: {  	_ =	sfence.sel $0xFFFF  }
0x37: {  	[dreg:$0x0] =	wrdreg $0xFFFFFFFF;
	(pc) =	sbr.abs _section_cstart, $3  }
0x38: {  	[dreg:$0x1] =	wrdreg $0xFFFFFFFF  }
0x39: {  	_ =	task.clear_ibuf [dreg:s7], $0x2FFFF;
	_ =	strace $0x9FFFFFFF  }
0x3a: {  	(tm) =	ssettm $0x7FFFFFFF  }
0x3b: {  	_ =	shalt  }
tec
execute0_lowered:
.L_overlay_start_1:
0x0: {  	(tag) =	ssettag $0x1  }
0x1: {  	s0 =	srdreg.scid  }
0x2: {  	s1 =	sshll.u32 s0, $0x4  }
0x3: {  	s0 =	stileid.u32;
	s1 =	sand.u32 $0x10, s1  }
0x4: {  	s7 =	rddreg [dreg:$0x0];
	s1 =	sor.u32 s0, s1  }
0x5: {  	s4 =	simm.s32 $0x1;
	s8 =	simm.s32 $0x2;
	s2 =	sshll.u32 s1, $0x7  }
0x6: {  	s13 =	simm.s32 $0x0;
	s9 =	simm.s32 $0x20000;
	s1 =	ssub.s32 $0x4000, s2  }
0x7: {  	s14 =	simm.s32 $0x0;
	s11 =	simm.s32 $0x0;
	s3 =	sand.u32 $0xF80, s1  }
0x8: {  	s12 =	simm.s32 $0x0;
	s5 =	sshrl.u32 s1, $0xC;
	p0 =	sne.s32 s3, $0x0  }
.Ltmp0:
0x9: {  	s1 =	rddreg [dreg:$0x2];
	s4 =	simm.s32 @!p0 $0x0;
	(pc) =	sbr.rel .LBB1_1-.Ltmp0, $4  }
0xa: {  	s6 =	sadd.s32 $0xE00, s7;
	s3 =	rddreg [dreg:$0x1];
	s5 =	sadd.s32 s4, s5  }
0xb: {  	_ =	strace $0x8000004D;
	s4 =	simm.s32 $0x1;
	s5 =	smul.u32 $0x19, s5  }
0xc: {  	s7 =	sadd.s32 $0x40E00, s7;
	s10 =	smov.u32 s2;
	[sflag:s4] =	ssyncpa.u1 $0x0  }
0xd: {  	p0 =	por $0x0, $0x0;
	[sflag:s8] =	ssyncpa.u1 $0x0;
	s8 =	sadd.s32 $0x1, s5  }
.LBB1_7:
0xe: {  	s15 =	sadd.s32 $0x1000, s10  }
0xf: {  	s13 =	sadd.s32 $0x2, s11;
	s17 =	smov.u32 s11;
	p2 =	sgt.s32 s15, $0x3FFF  }
0x10: {  	s17 =	smov.u32 @p2 s13  }
0x11: {  	s15 =	smov.u32 @p2 s2;
	p2 =	sgt.s32 s17, $0x31  }
0x12: {  	s17 =	simm.s32 @p2 $0x0;
	p2 =	sne.s32 s12, s8  }
.Ltmp1:
0x13: {  	p1 =	slt.u32 s12, $0x2;
	(pc) =	sbr.rel @!p2 .LBB1_8-.Ltmp1, $4  }
0x14: {  	s16 =	simm.s32 @!p1 $0x2  }
0x15: {  	s14 =	smov.u32 s11;
	p0 =	por !p0, !p0;
	_ =	swait.ge @!p1 [sflag:s16], $0x2000  }
0x16: {  	s13 =	smov.u32 s10;
	[sflag:s16] =	ssyncset.done @!p1 $0x0;
	s10 =	smov.u32 s15  }
0x17: {  	s12 =	sadd.s32 $0x1, s12;
	[sflag:s16] =	ssyncadd.s32 @!p1 $0xFFFFE000;
	s11 =	smov.u32 s17  }
.LBB1_1:
0x18: {  	p1 =	sge.u32 s12, s5  }
0x19: {  	s15 =	sxor.u32 @!p1 $0xFFFFFFFF, s12;
	s16 =	sshll.u32 @!p1 s11, $0x12  }
0x1a: {  	s17 =	sshll.u32 @!p1 s10, $0x4;
	s19 =	simm.s32 @!p1 $0x20;
	s20 =	simm.s32 @!p1 $0x80  }
0x1b: {  	s15 =	sshll.u32 @!p1 s15, $0xD;
	s17 =	sand.u32 @!p1 $0x3FFF0, s17;
	s18 =	sadd.s32 @!p1 s6, s16  }
0x1c: {  	s16 =	sadd.s32 @!p1 s16, s7;
	s15 =	sand.u32 @!p1 $0x2000, s15;
	s18 =	sadd.s32 @!p1 s17, s18  }
0x1d: {  	[tilespmem:s15], [sflag:$0x1] =	stream.strided.gather @!p1 [hbm4b:s18+s19], $0x1000, s20, s19, $0x38;
	[tilespmem:$0x8080] =	vst v63  }
0x1e: {  	s31 =	sadd.s32 $0xFFFFFFFF, s12;
	s16 =	sadd.s32 @!p1 s17, s16;
	s15 =	sor.u32 @!p1 $0x1000, s15  }
0x1f: {  	[tilespmem:s15], [sflag:$0x1] =	stream.strided.gather @!p1 [hbm4b:s16+s19], $0x1000, s20, s19, $0x38;
	[tilespmem:$0x8080] =	vst v63  }
0x20: {  	p1 =	sge.u32 s31, s5  }
.Ltmp2:
0x21: {  	_ = 	snop;
	(pc) =	sbr.rel @p1 .LBB1_7-.Ltmp2, $1  }
0x22: {  	_ =	sdelay $0x3  }
0x23: {  	s15 =	simm.s32 $0x1;
	s17 =	sand.u32 $0x1, s12  }
0x24: {  	_ =	swait.ge [sflag:s4], $0x2000;
	s15 =	simm.s32 @!p0 $0x0;
	s17 =	smul.u32 $0x8100, s17  }
0x25: {  	p2 =	por $0x1, $0x1;
	[sflag:s4] =	ssyncset.done $0x0;
	s16 =	smul.u32 $0x8100, s15  }
0x26: {  	s18 =	sshll.u32 s15, $0xF;
	[sflag:s4] =	ssyncadd.s32 $0xFFFFE000;
	s30 =	sshrl.u32 s17, $0x2  }
0x27: {  	s31 =	sshrl.u32 s18, $0x2;
	s18 =	simm.s32 $0x0;
	s16 =	sshrl.u32 s16, $0x2  }
0x28: {  	s15 =	sor.u32 $0x4000, s30;
	s17 =	sadd.s32 $0x10, s31;
	s16 =	sor.u32 $0x4000, s16  }
.LBB1_3:
0x29: {  	s19 =	sshll.u32 s18, $0xC  }
0x2a: {  	s19 =	sand.u32 $0x3FFFF000, s19  }
0x2b: {  	s20 =	sadd.s32 s19, s17  }
0x2c: {  	s31 =	smul.u32 $0x4080, s18;
	v1 =	vld [tilespmem:s20+$0x0]  }
0x2d: {  	v0 =	vld [tilespmem:s20+$0xFFFFFFF0]  }
0x2e: {  	s18 =	sshra.s32 s31, $0x2  }
0x2f: {  	s18 =	sadd.s32 s18, s16  }
0x30: {  	s21 =	sadd.s32 $0x0, s18  }
0x31: {  	p1 =	por p2, p2;
	s19 =	simm.s32 $0x4;
	s20 =	sadd.s32 $0x20, s20;
	[tilespmem:s21+$0x810 ss:$0x81] =	vst.msk $0xffff, v1  }
.LBB1_4:
0x32: {  	v1 =	vld [tilespmem:s20+$0x0];
	p2 =	sne.s32 s19, $0x1FC;
	[tilespmem:s21+$0x0 ss:$0x81] =	vst.msk $0xffff, v0;
	s21 =	smov.u32 s19;
	s19 =	sadd.s32 $0x4, s19  }
.Ltmp3:
0x33: {  	v0 =	vld [tilespmem:s20+$0xFFFFFFF0];
	(pc) =	sbr.rel @p2 .LBB1_4-.Ltmp3, $4  }
0x34: {  	_ = 	snop  }
0x35: {  	s21 =	sshra.s32 s21, $0x2  }
0x36: {  	s21 =	sadd.s32 s21, s18  }
0x37: {  	s20 =	sadd.s32 $0x20, s20;
	[tilespmem:s21+$0x810 ss:$0x81] =	vst.msk $0xffff, v1  }
.Ltmp4:
0x38: {  	(pc) =	sbr.rel @p1 .LBB1_3-.Ltmp4, $2  }
0x39: {  	_ =	sdelay $0x2  }
0x3a: {  	[tilespmem:s21+$0x0 ss:$0x81] =	vst.msk $0xffff, v0;
	s18 =	simm.s32 $0x1;
	p2 =	por $0x0, $0x0  }
0x3b: {  	s16 =	sshll.u32 s13, $0x3;
	s17 =	sand.u32 $0x78, s13;
	s14 =	sshll.u32 s14, $0x10  }
.Ltmp5:
0x3c: {  	s30 =	sand.u32 $0xF800, s13;
	s16 =	sand.u32 $0x3C00, s16;
	(pc) =	sbr.rel .LBB1_7-.Ltmp5, $4  }
0x3d: {  	s31 =	sand.u32 $0x7, s13;
	s14 =	sadd.s32 s3, s14;
	s16 =	sor.u32 s17, s16  }
0x3e: {  	s13 =	sshll.u32 s31, $0x12;
	s14 =	sadd.s32 s30, s14;
	s16 =	sshrl.u32 s16, $0x3  }
0x3f: {  	s13 =	sor.u32 $0x400, s13;
	s14 =	sadd.s32 s16, s14  }
0x40: {  	[hbm4b:s14+s13] =	stream.strided.scatter [tilespmem:s15], [sflag:$0x2], $0x2000, s9, s13, $0x20;
	[tilespmem:$0x8080] =	vst v63  }
.LBB1_8:
0x41: {  	_ =	sfence.sel $0x180000  }
0x42: {  	s2 =	simm.s32 $0x1;
	[bflag:$0x0] =	sbarrier.arrive $0xFFFF  }
0x43: {  	s31 =	simm.s32 $0x2;
	[sflag:s2] =	ssyncpa.u1 $0x1  }
0x44: {  	[sflag:s31] =	ssyncpa.u1 $0x1  }
0x45: {  	p0 =	sne.s32 s0, $0x0;
	_ =	strace $0x9000004D  }
0x46: {  	s0 =	sadd.s32 @!p0 $0x100000, s1;
	[bflag:$0x2] =	sbarrier.arrive $0xFFFF  }
0x47: {  	[sflag:s0] =	ssyncadd.tile.s32 @!p0 $0x1;
	_ =	shalt  }
.Lfunc_end1:
_tile_overlayer_lowered:
.L_overlay_start_2:
0x48: {  	(tag) =	ssettag $0x2  }
0x49: {  	s0 =	rddreg [dreg:$0x0];
	s2 =	stileid.u32  }
0x4a: {  	s1 =	rddreg [dreg:$0x1];
	p0 =	sne.s32 s2, $0x0  }
0x4b: {  	s3 =	rddreg [dreg:$0x2];
	[bflag:$0x3] =	sbarrier.arrive $0xFFFF;
	s2 =	simm.s32 @!p0 $0x1C01  }
0x4c: {  	[timem:s3], [sflag:s2] =	dma.local @!p0 [hbm:s0], s1  }
0x4d: {  	s0 =	simm.s32 @!p0 $0x1  }
0x4e: {  	_ =	swait.ge @!p0 [sflag:s0], s1  }
0x4f: {  	s1 =	ssub.s32 @!p0 $0x0, s1;
	[sflag:s0] =	ssyncset.done @!p0 $0x0  }
0x50: {  	[sflag:s0] =	ssyncadd.s32 @!p0 s1  }
0x51: {  	[bflag:$0x3] =	sbarrier.arrive $0xFFFF  }
0x52: {  	_ =	shalt  }

</sc_bundles>
